<compile_context>
chip_gen: v7x
topology: tpu7x:2x2x1
jax: 0.10.2.dev20260603
libtpu: 0.0.44.dev20260713+nightly
codegen_flags: <defaults>
</compile_context>

<pallas_src>
import functools

import jax
import jax.numpy as jnp
from jax import lax
from jax.experimental import pallas as pl
from jax.experimental.pallas import tpu as pltpu
from jax.experimental.pallas import tpu_sc as plsc

NC = 2
NS = 16
NW = NC * NS
L = 16

BATCH = 16384
K = 32
TB = 128
BPW = BATCH // NW
SUB = 8


def _gmf_body(uid_hbm, iid_hbm, pt_hbm, qt_hbm, out_hbm,
              uid_v, iid_v, pu_v, qi_v, o_v, sem):
    wid = lax.axis_index("s") * NC + lax.axis_index("c")
    base = wid * BPW

    pltpu.sync_copy(uid_hbm.at[pl.ds(base, BPW)], uid_v.at[pl.ds(0, BPW)])
    pltpu.sync_copy(iid_hbm.at[pl.ds(base, BPW)], iid_v.at[pl.ds(0, BPW)])

    lane = lax.iota(jnp.int32, L)
    blk = jnp.bitwise_and(lane, SUB - 1)

    def pair16(g, carry):
        uvec = uid_v[pl.ds(g * L, L)]
        ivec = iid_v[pl.ds(g * L, L)]
        ucol = jnp.bitwise_and(uvec, TB - 1)
        icol = jnp.bitwise_and(ivec, TB - 1)
        acc = jnp.zeros((L,), jnp.float32)

        for half in range(2):
            for j in range(SUB):
                u = pl.multiple_of((uvec[half * SUB + j] >> 7) << 7, TB)
                i = pl.multiple_of((ivec[half * SUB + j] >> 7) << 7, TB)
                pltpu.async_copy(pt_hbm.at[:, pl.ds(u, TB)], pu_v.at[j], sem)
                pltpu.async_copy(qt_hbm.at[:, pl.ds(i, TB)], qi_v.at[j], sem)
            for j in range(SUB):
                pltpu.make_async_copy(
                    pt_hbm.at[:, pl.ds(0, TB)], pu_v.at[j], sem).wait()
                pltpu.make_async_copy(
                    qt_hbm.at[:, pl.ds(0, TB)], qi_v.at[j], sem).wait()

            keep = (lane >> 3) == half

            def kstep(k, a):
                kvec = jnp.full((L,), 0, jnp.int32) + k
                pv = plsc.load_gather(pu_v, [blk, kvec, ucol])
                qv = plsc.load_gather(qi_v, [blk, kvec, icol])
                return jnp.where(keep, a + pv * qv, a)

            acc = lax.fori_loop(0, K, kstep, acc)

        o_v[pl.ds(g * L, L)] = acc
        return carry

    lax.fori_loop(0, BPW // L, pair16, 0)

    pltpu.sync_copy(o_v, out_hbm.at[pl.ds(base, BPW)])


def _gmf(user_ids, item_ids, P, Q):
    mesh = plsc.VectorSubcoreMesh(
        core_axis_name="c", subcore_axis_name="s",
        num_cores=NC, num_subcores=NS)
    run = pl.kernel(
        _gmf_body,
        out_type=jax.ShapeDtypeStruct((BATCH,), jnp.float32),
        mesh=mesh,
        compiler_params=pltpu.CompilerParams(needs_layout_passes=False),
        scratch_types=[
            pltpu.VMEM((BPW + SUB,), jnp.int32),
            pltpu.VMEM((BPW + SUB,), jnp.int32),
            pltpu.VMEM((SUB, K, TB), jnp.float32),
            pltpu.VMEM((SUB, K, TB), jnp.float32),
            pltpu.VMEM((BPW,), jnp.float32),
            pltpu.SemaphoreType.DMA,
        ],
    )
    return run(user_ids, item_ids,
               jnp.swapaxes(P, 0, 1), jnp.swapaxes(Q, 0, 1))


def kernel(user_ids, item_ids, P, Q):
    out = _gmf(user_ids, item_ids, P, Q)
    return out.reshape(BATCH, 1)

# --- scband reference (transcript-rebuilt; emitter-appended) ---
"""Pipeline reference for scband-gmf-70866960384291 (READ-ONLY COPY).

The authoritative reference and input builder live on the scoring server;
editing this copy changes nothing except your own understanding.
"""

import jax, jax.numpy as jnp
import numpy as np

N_USERS = 1000000
N_ITEMS = 1000000
K = 32
BATCH = 16384

def setup_inputs(seed: int = 0) -> dict:
    key = jax.random.key(seed)
    k1, k2, k3, k4 = jax.random.split(key, 4)
    user_ids = jax.random.randint(k1, (BATCH,), 0, N_USERS, dtype=jnp.int64) if jax.config.jax_enable_x64 else jax.random.randint(k1, (BATCH,), 0, N_USERS, dtype=jnp.int32)
    item_ids = jax.random.randint(k2, (BATCH,), 0, N_ITEMS, dtype=jnp.int32)
    user_ids = user_ids.astype(jnp.int32)
    P = (jax.random.normal(k3, (N_USERS, K), dtype=jnp.float32) * 0.01)
    Q = (jax.random.normal(k4, (N_ITEMS, K), dtype=jnp.float32) * 0.01)
    return {"user_ids": user_ids, "item_ids": item_ids, "P": P, "Q": Q}

def reference(user_ids, item_ids, P, Q):
    pu = jnp.take(P, user_ids, axis=0)
    qi = jnp.take(Q, item_ids, axis=0)
    X = jnp.sum(pu * qi, axis=1, keepdims=True)
    return X

if __name__ == "__main__":
    import jax
    _d = setup_inputs()
    print(jax.jit(kernel)(*tuple(_d.values())))

</pallas_src>

<mosaic_0001>
#map = affine_map<(d0, d1) -> (0)>
#map1 = affine_map<(d0, d1) -> (0, 0)>
module attributes {stable_mosaic.version = 14 : i64} {
  func.func @_gmf_body(%arg0: i32, %arg1: i32, %arg2: memref<16384xi32, #tpu.memory_space<hbm>>, %arg3: memref<16384xi32, #tpu.memory_space<hbm>>, %arg4: memref<32x1000000xf32, #tpu.memory_space<hbm>>, %arg5: memref<32x1000000xf32, #tpu.memory_space<hbm>>, %arg6: memref<16384xf32, #tpu.memory_space<hbm>>, %arg7: memref<520xi32, #tpu.memory_space<vmem>>, %arg8: memref<520xi32, #tpu.memory_space<vmem>>, %arg9: memref<8x32x128xf32, #tpu.memory_space<vmem>>, %arg10: memref<8x32x128xf32, #tpu.memory_space<vmem>>, %arg11: memref<512xf32, #tpu.memory_space<vmem>>, %arg12: memref<!tpu.dma_semaphore, #tpu.memory_space<semaphore_mem>>) attributes {dimension_semantics = [#tpu.dimension_semantics<core_parallel>, #tpu.dimension_semantics<subcore_parallel>], iteration_bounds = array<i64: 2, 16>, scalar_prefetch = 0 : i64, scratch_operands = 6 : i64, tpu.core_type = #tpu.core_type<sc_vector_subcore>, window_params = [{transform_indices = #map}, {transform_indices = #map}, {transform_indices = #map1}, {transform_indices = #map1}, {transform_indices = #map}]} {
    %mul3A = arith.constant 2 : i32
    %mul3A_0 = arith.muli %arg1, %mul3A : i32
    %add3A = arith.addi %mul3A_0, %arg0 : i32
    %mul3A_1 = arith.constant 512 : i32
    %mul3A_2 = arith.muli %add3A, %mul3A_1 : i32
    "tpu.region"() ({
      %run_scoped3A = tpu.sem_alloc : memref<!tpu.dma_semaphore, #tpu.memory_space<semaphore_mem>>
      %dma_start3A = arith.constant 0 : i32
      %dma_start3A_10 = tpu.memref_slice %arg7[%dma_start3A] : memref<520xi32, #tpu.memory_space<vmem>> -> memref<512xi32, #tpu.memory_space<vmem>>
      %dma_start3A_11 = tpu.memref_slice %arg2[%mul3A_2] : memref<16384xi32, #tpu.memory_space<hbm>> -> memref<512xi32, #tpu.memory_space<hbm>>
      %dma_start3A_12 = arith.constant 0 : i32
      %dma_start3A_13 = tpu.memref_slice %arg7[%dma_start3A_12] : memref<520xi32, #tpu.memory_space<vmem>> -> memref<512xi32, #tpu.memory_space<vmem>>
      %dma_start3A_14 = tpu.memref_slice %arg2[%mul3A_2] : memref<16384xi32, #tpu.memory_space<hbm>> -> memref<512xi32, #tpu.memory_space<hbm>>
      tpu.enqueue_dma source(%dma_start3A_14 : memref<512xi32, #tpu.memory_space<hbm>>) target(%dma_start3A_13 : memref<512xi32, #tpu.memory_space<vmem>>) target_semaphore(%run_scoped3A : memref<!tpu.dma_semaphore, #tpu.memory_space<semaphore_mem>>)
      %dma_wait3A = arith.constant 0 : i32
      %dma_wait3A_15 = tpu.memref_slice %arg7[%dma_wait3A] : memref<520xi32, #tpu.memory_space<vmem>> -> memref<512xi32, #tpu.memory_space<vmem>>
      %dma_wait3A_16 = tpu.memref_slice %arg2[%mul3A_2] : memref<16384xi32, #tpu.memory_space<hbm>> -> memref<512xi32, #tpu.memory_space<hbm>>
      %dma_wait3A_17 = arith.constant 0 : i32
      %dma_wait3A_18 = tpu.memref_slice %arg7[%dma_wait3A_17] : memref<520xi32, #tpu.memory_space<vmem>> -> memref<512xi32, #tpu.memory_space<vmem>>
      %dma_wait3A_19 = tpu.memref_slice %arg2[%mul3A_2] : memref<16384xi32, #tpu.memory_space<hbm>> -> memref<512xi32, #tpu.memory_space<hbm>>
      tpu.wait_dma2 semaphore(%run_scoped3A : memref<!tpu.dma_semaphore, #tpu.memory_space<semaphore_mem>>) src(%dma_wait3A_19 : memref<512xi32, #tpu.memory_space<hbm>>) dst(%dma_wait3A_18 : memref<512xi32, #tpu.memory_space<vmem>>)
      tpu.yield
    }) : () -> ()
    "tpu.region"() ({
      %run_scoped3A = tpu.sem_alloc : memref<!tpu.dma_semaphore, #tpu.memory_space<semaphore_mem>>
      %dma_start3A = arith.constant 0 : i32
      %dma_start3A_10 = tpu.memref_slice %arg8[%dma_start3A] : memref<520xi32, #tpu.memory_space<vmem>> -> memref<512xi32, #tpu.memory_space<vmem>>
      %dma_start3A_11 = tpu.memref_slice %arg3[%mul3A_2] : memref<16384xi32, #tpu.memory_space<hbm>> -> memref<512xi32, #tpu.memory_space<hbm>>
      %dma_start3A_12 = arith.constant 0 : i32
      %dma_start3A_13 = tpu.memref_slice %arg8[%dma_start3A_12] : memref<520xi32, #tpu.memory_space<vmem>> -> memref<512xi32, #tpu.memory_space<vmem>>
      %dma_start3A_14 = tpu.memref_slice %arg3[%mul3A_2] : memref<16384xi32, #tpu.memory_space<hbm>> -> memref<512xi32, #tpu.memory_space<hbm>>
      tpu.enqueue_dma source(%dma_start3A_14 : memref<512xi32, #tpu.memory_space<hbm>>) target(%dma_start3A_13 : memref<512xi32, #tpu.memory_space<vmem>>) target_semaphore(%run_scoped3A : memref<!tpu.dma_semaphore, #tpu.memory_space<semaphore_mem>>)
      %dma_wait3A = arith.constant 0 : i32
      %dma_wait3A_15 = tpu.memref_slice %arg8[%dma_wait3A] : memref<520xi32, #tpu.memory_space<vmem>> -> memref<512xi32, #tpu.memory_space<vmem>>
      %dma_wait3A_16 = tpu.memref_slice %arg3[%mul3A_2] : memref<16384xi32, #tpu.memory_space<hbm>> -> memref<512xi32, #tpu.memory_space<hbm>>
      %dma_wait3A_17 = arith.constant 0 : i32
      %dma_wait3A_18 = tpu.memref_slice %arg8[%dma_wait3A_17] : memref<520xi32, #tpu.memory_space<vmem>> -> memref<512xi32, #tpu.memory_space<vmem>>
      %dma_wait3A_19 = tpu.memref_slice %arg3[%mul3A_2] : memref<16384xi32, #tpu.memory_space<hbm>> -> memref<512xi32, #tpu.memory_space<hbm>>
      tpu.wait_dma2 semaphore(%run_scoped3A : memref<!tpu.dma_semaphore, #tpu.memory_space<semaphore_mem>>) src(%dma_wait3A_19 : memref<512xi32, #tpu.memory_space<hbm>>) dst(%dma_wait3A_18 : memref<512xi32, #tpu.memory_space<vmem>>)
      tpu.yield
    }) : () -> ()
    %iota3A = tpu.iota {dimensions = array<i32: 0>} : vector<16xi32>
    %and3A = arith.constant 7 : i32
    %and3A_3 = vector.broadcast %and3A : i32 to vector<16xi32>
    %and3A_4 = arith.andi %iota3A, %and3A_3 : vector<16xi32>
    %scan3A = arith.constant 0 : i32
    %scan3A_5 = arith.constant 0 : i32
    %scan3A_6 = arith.constant 32 : i32
    %scan3A_7 = arith.addi %scan3A_5, %scan3A_6 : i32
    %scan3A_8 = arith.constant 1 : i32
    scf.for %scan3A_10 = %scan3A_5 to %scan3A_7 step %scan3A_8  : i32 {
      %mul3A_11 = arith.constant 16 : i32
      %mul3A_12 = arith.muli %scan3A_10, %mul3A_11 : i32
      %get3A = arith.index_cast %mul3A_12 : i32 to index
      %get3A_13 = tpu.vector_load %arg7[%get3A] {strides = array<i32>} : memref<520xi32, #tpu.memory_space<vmem>>, vector<16xi32>,
      %mul3A_14 = arith.constant 16 : i32
      %mul3A_15 = arith.muli %scan3A_10, %mul3A_14 : i32
      %get3A_16 = arith.index_cast %mul3A_15 : i32 to index
      %get3A_17 = tpu.vector_load %arg8[%get3A_16] {strides = array<i32>} : memref<520xi32, #tpu.memory_space<vmem>>, vector<16xi32>,
      %and3A_18 = arith.constant 127 : i32
      %and3A_19 = vector.broadcast %and3A_18 : i32 to vector<16xi32>
      %and3A_20 = arith.andi %get3A_13, %and3A_19 : vector<16xi32>
      %and3A_21 = arith.constant 127 : i32
      %and3A_22 = vector.broadcast %and3A_21 : i32 to vector<16xi32>
      %and3A_23 = arith.andi %get3A_17, %and3A_22 : vector<16xi32>
      %broadcast_in_dim3A = arith.constant 0.000000e+00 : f32
      %broadcast_in_dim3A_24 = vector.broadcast %broadcast_in_dim3A : f32 to vector<16xf32>
      %slice3A = vector.extract_strided_slice %get3A_13 {offsets = [0], sizes = [1], strides = [1]} : vector<16xi32> to vector<1xi32>
      %squeeze3A = vector.extract %slice3A[0] : i32 from vector<1xi32>
      %shift_right_arithmetic3A = arith.constant 7 : i32
      %shift_right_arithmetic3A_25 = arith.shrsi %squeeze3A, %shift_right_arithmetic3A : i32
      %shift_left3A = arith.constant 7 : i32
      %shift_left3A_26 = arith.shli %shift_right_arithmetic3A_25, %shift_left3A : i32
      %multiple_of3A = tpu.assume_multiple %shift_left3A_26, 128 : i32
      %slice3A_27 = vector.extract_strided_slice %get3A_17 {offsets = [0], sizes = [1], strides = [1]} : vector<16xi32> to vector<1xi32>
      %squeeze3A_28 = vector.extract %slice3A_27[0] : i32 from vector<1xi32>
      %shift_right_arithmetic3A_29 = arith.constant 7 : i32
      %shift_right_arithmetic3A_30 = arith.shrsi %squeeze3A_28, %shift_right_arithmetic3A_29 : i32
      %shift_left3A_31 = arith.constant 7 : i32
      %shift_left3A_32 = arith.shli %shift_right_arithmetic3A_30, %shift_left3A_31 : i32
      %multiple_of3A_33 = tpu.assume_multiple %shift_left3A_32, 128 : i32
      %dma_start3A = arith.constant 0 : i32
      %dma_start3A_34 = arith.constant 0 : i32
      %dma_start3A_35 = arith.constant 0 : i32
      %dma_start3A_36 = tpu.memref_slice %arg9[%dma_start3A, %dma_start3A_34, %dma_start3A_35] : memref<8x32x128xf32, #tpu.memory_space<vmem>> -> memref<1x32x128xf32, #tpu.memory_space<vmem>>
      %dma_start3A_37 = tpu.memref_squeeze %dma_start3A_36 : memref<1x32x128xf32, #tpu.memory_space<vmem>> -> memref<32x128xf32, #tpu.memory_space<vmem>>
      %dma_start3A_38 = arith.constant 0 : i32
      %dma_start3A_39 = tpu.memref_slice %arg4[%dma_start3A_38, %multiple_of3A] : memref<32x1000000xf32, #tpu.memory_space<hbm>> -> memref<32x128xf32, #tpu.memory_space<hbm>>
      %dma_start3A_40 = arith.constant 0 : i32
      %dma_start3A_41 = arith.constant 0 : i32
      %dma_start3A_42 = tpu.memref_slice %arg9[%dma_start3A, %dma_start3A_40, %dma_start3A_41] : memref<8x32x128xf32, #tpu.memory_space<vmem>> -> memref<1x32x128xf32, #tpu.memory_space<vmem>>
      %dma_start3A_43 = tpu.memref_squeeze %dma_start3A_42 : memref<1x32x128xf32, #tpu.memory_space<vmem>> -> memref<32x128xf32, #tpu.memory_space<vmem>>
      %dma_start3A_44 = arith.constant 0 : i32
      %dma_start3A_45 = tpu.memref_slice %arg4[%dma_start3A_44, %multiple_of3A] : memref<32x1000000xf32, #tpu.memory_space<hbm>> -> memref<32x128xf32, #tpu.memory_space<hbm>>
      tpu.enqueue_dma source(%dma_start3A_45 : memref<32x128xf32, #tpu.memory_space<hbm>>) target(%dma_start3A_43 : memref<32x128xf32, #tpu.memory_space<vmem>>) target_semaphore(%arg12 : memref<!tpu.dma_semaphore, #tpu.memory_space<semaphore_mem>>)
      %dma_start3A_46 = arith.constant 0 : i32
      %dma_start3A_47 = arith.constant 0 : i32
      %dma_start3A_48 = arith.constant 0 : i32
      %dma_start3A_49 = tpu.memref_slice %arg10[%dma_start3A_46, %dma_start3A_47, %dma_start3A_48] : memref<8x32x128xf32, #tpu.memory_space<vmem>> -> memref<1x32x128xf32, #tpu.memory_space<vmem>>
      %dma_start3A_50 = tpu.memref_squeeze %dma_start3A_49 : memref<1x32x128xf32, #tpu.memory_space<vmem>> -> memref<32x128xf32, #tpu.memory_space<vmem>>
      %dma_start3A_51 = arith.constant 0 : i32
      %dma_start3A_52 = tpu.memref_slice %arg5[%dma_start3A_51, %multiple_of3A_33] : memref<32x1000000xf32, #tpu.memory_space<hbm>> -> memref<32x128xf32, #tpu.memory_space<hbm>>
      %dma_start3A_53 = arith.constant 0 : i32
      %dma_start3A_54 = arith.constant 0 : i32
      %dma_start3A_55 = tpu.memref_slice %arg10[%dma_start3A_46, %dma_start3A_53, %dma_start3A_54] : memref<8x32x128xf32, #tpu.memory_space<vmem>> -> memref<1x32x128xf32, #tpu.memory_space<vmem>>
      %dma_start3A_56 = tpu.memref_squeeze %dma_start3A_55 : memref<1x32x128xf32, #tpu.memory_space<vmem>> -> memref<32x128xf32, #tpu.memory_space<vmem>>
      %dma_start3A_57 = arith.constant 0 : i32
      %dma_start3A_58 = tpu.memref_slice %arg5[%dma_start3A_57, %multiple_of3A_33] : memref<32x1000000xf32, #tpu.memory_space<hbm>> -> memref<32x128xf32, #tpu.memory_space<hbm>>
      tpu.enqueue_dma source(%dma_start3A_58 : memref<32x128xf32, #tpu.memory_space<hbm>>) target(%dma_start3A_56 : memref<32x128xf32, #tpu.memory_space<vmem>>) target_semaphore(%arg12 : memref<!tpu.dma_semaphore, #tpu.memory_space<semaphore_mem>>)
      %slice3A_59 = vector.extract_strided_slice %get3A_13 {offsets = [1], sizes = [1], strides = [1]} : vector<16xi32> to vector<1xi32>
      %squeeze3A_60 = vector.extract %slice3A_59[0] : i32 from vector<1xi32>
      %shift_right_arithmetic3A_61 = arith.constant 7 : i32
      %shift_right_arithmetic3A_62 = arith.shrsi %squeeze3A_60, %shift_right_arithmetic3A_61 : i32
      %shift_left3A_63 = arith.constant 7 : i32
      %shift_left3A_64 = arith.shli %shift_right_arithmetic3A_62, %shift_left3A_63 : i32
      %multiple_of3A_65 = tpu.assume_multiple %shift_left3A_64, 128 : i32
      %slice3A_66 = vector.extract_strided_slice %get3A_17 {offsets = [1], sizes = [1], strides = [1]} : vector<16xi32> to vector<1xi32>
      %squeeze3A_67 = vector.extract %slice3A_66[0] : i32 from vector<1xi32>
      %shift_right_arithmetic3A_68 = arith.constant 7 : i32
      %shift_right_arithmetic3A_69 = arith.shrsi %squeeze3A_67, %shift_right_arithmetic3A_68 : i32
      %shift_left3A_70 = arith.constant 7 : i32
      %shift_left3A_71 = arith.shli %shift_right_arithmetic3A_69, %shift_left3A_70 : i32
      %multiple_of3A_72 = tpu.assume_multiple %shift_left3A_71, 128 : i32
      %dma_start3A_73 = arith.constant 1 : i32
      %dma_start3A_74 = arith.constant 0 : i32
      %dma_start3A_75 = arith.constant 0 : i32
      %dma_start3A_76 = tpu.memref_slice %arg9[%dma_start3A_73, %dma_start3A_74, %dma_start3A_75] : memref<8x32x128xf32, #tpu.memory_space<vmem>> -> memref<1x32x128xf32, #tpu.memory_space<vmem>>
      %dma_start3A_77 = tpu.memref_squeeze %dma_start3A_76 : memref<1x32x128xf32, #tpu.memory_space<vmem>> -> memref<32x128xf32, #tpu.memory_space<vmem>>
      %dma_start3A_78 = arith.constant 0 : i32
      %dma_start3A_79 = tpu.memref_slice %arg4[%dma_start3A_78, %multiple_of3A_65] : memref<32x1000000xf32, #tpu.memory_space<hbm>> -> memref<32x128xf32, #tpu.memory_space<hbm>>
      %dma_start3A_80 = arith.constant 0 : i32
      %dma_start3A_81 = arith.constant 0 : i32
      %dma_start3A_82 = tpu.memref_slice %arg9[%dma_start3A_73, %dma_start3A_80, %dma_start3A_81] : memref<8x32x128xf32, #tpu.memory_space<vmem>> -> memref<1x32x128xf32, #tpu.memory_space<vmem>>
      %dma_start3A_83 = tpu.memref_squeeze %dma_start3A_82 : memref<1x32x128xf32, #tpu.memory_space<vmem>> -> memref<32x128xf32, #tpu.memory_space<vmem>>
      %dma_start3A_84 = arith.constant 0 : i32
      %dma_start3A_85 = tpu.memref_slice %arg4[%dma_start3A_84, %multiple_of3A_65] : memref<32x1000000xf32, #tpu.memory_space<hbm>> -> memref<32x128xf32, #tpu.memory_space<hbm>>
      tpu.enqueue_dma source(%dma_start3A_85 : memref<32x128xf32, #tpu.memory_space<hbm>>) target(%dma_start3A_83 : memref<32x128xf32, #tpu.memory_space<vmem>>) target_semaphore(%arg12 : memref<!tpu.dma_semaphore, #tpu.memory_space<semaphore_mem>>)
      %dma_start3A_86 = arith.constant 1 : i32
      %dma_start3A_87 = arith.constant 0 : i32
      %dma_start3A_88 = arith.constant 0 : i32
      %dma_start3A_89 = tpu.memref_slice %arg10[%dma_start3A_86, %dma_start3A_87, %dma_start3A_88] : memref<8x32x128xf32, #tpu.memory_space<vmem>> -> memref<1x32x128xf32, #tpu.memory_space<vmem>>
      %dma_start3A_90 = tpu.memref_squeeze %dma_start3A_89 : memref<1x32x128xf32, #tpu.memory_space<vmem>> -> memref<32x128xf32, #tpu.memory_space<vmem>>
      %dma_start3A_91 = arith.constant 0 : i32
      %dma_start3A_92 = tpu.memref_slice %arg5[%dma_start3A_91, %multiple_of3A_72] : memref<32x1000000xf32, #tpu.memory_space<hbm>> -> memref<32x128xf32, #tpu.memory_space<hbm>>
      %dma_start3A_93 = arith.constant 0 : i32
      %dma_start3A_94 = arith.constant 0 : i32
      %dma_start3A_95 = tpu.memref_slice %arg10[%dma_start3A_86, %dma_start3A_93, %dma_start3A_94] : memref<8x32x128xf32, #tpu.memory_space<vmem>> -> memref<1x32x128xf32, #tpu.memory_space<vmem>>
      %dma_start3A_96 = tpu.memref_squeeze %dma_start3A_95 : memref<1x32x128xf32, #tpu.memory_space<vmem>> -> memref<32x128xf32, #tpu.memory_space<vmem>>
      %dma_start3A_97 = arith.constant 0 : i32
      %dma_start3A_98 = tpu.memref_slice %arg5[%dma_start3A_97, %multiple_of3A_72] : memref<32x1000000xf32, #tpu.memory_space<hbm>> -> memref<32x128xf32, #tpu.memory_space<hbm>>
      tpu.enqueue_dma source(%dma_start3A_98 : memref<32x128xf32, #tpu.memory_space<hbm>>) target(%dma_start3A_96 : memref<32x128xf32, #tpu.memory_space<vmem>>) target_semaphore(%arg12 : memref<!tpu.dma_semaphore, #tpu.memory_space<semaphore_mem>>)
      %slice3A_99 = vector.extract_strided_slice %get3A_13 {offsets = [2], sizes = [1], strides = [1]} : vector<16xi32> to vector<1xi32>
      %squeeze3A_100 = vector.extract %slice3A_99[0] : i32 from vector<1xi32>
      %shift_right_arithmetic3A_101 = arith.constant 7 : i32
      %shift_right_arithmetic3A_102 = arith.shrsi %squeeze3A_100, %shift_right_arithmetic3A_101 : i32
      %shift_left3A_103 = arith.constant 7 : i32
      %shift_left3A_104 = arith.shli %shift_right_arithmetic3A_102, %shift_left3A_103 : i32
      %multiple_of3A_105 = tpu.assume_multiple %shift_left3A_104, 128 : i32
      %slice3A_106 = vector.extract_strided_slice %get3A_17 {offsets = [2], sizes = [1], strides = [1]} : vector<16xi32> to vector<1xi32>
      %squeeze3A_107 = vector.extract %slice3A_106[0] : i32 from vector<1xi32>
      %shift_right_arithmetic3A_108 = arith.constant 7 : i32
      %shift_right_arithmetic3A_109 = arith.shrsi %squeeze3A_107, %shift_right_arithmetic3A_108 : i32
      %shift_left3A_110 = arith.constant 7 : i32
      %shift_left3A_111 = arith.shli %shift_right_arithmetic3A_109, %shift_left3A_110 : i32
      %multiple_of3A_112 = tpu.assume_multiple %shift_left3A_111, 128 : i32
      %dma_start3A_113 = arith.constant 2 : i32
      %dma_start3A_114 = arith.constant 0 : i32
      %dma_start3A_115 = arith.constant 0 : i32
      %dma_start3A_116 = tpu.memref_slice %arg9[%dma_start3A_113, %dma_start3A_114, %dma_start3A_115] : memref<8x32x128xf32, #tpu.memory_space<vmem>> -> memref<1x32x128xf32, #tpu.memory_space<vmem>>
      %dma_start3A_117 = tpu.memref_squeeze %dma_start3A_116 : memref<1x32x128xf32, #tpu.memory_space<vmem>> -> memref<32x128xf32, #tpu.memory_space<vmem>>
      %dma_start3A_118 = arith.constant 0 : i32
      %dma_start3A_119 = tpu.memref_slice %arg4[%dma_start3A_118, %multiple_of3A_105] : memref<32x1000000xf32, #tpu.memory_space<hbm>> -> memref<32x128xf32, #tpu.memory_space<hbm>>
      %dma_start3A_120 = arith.constant 0 : i32
      %dma_start3A_121 = arith.constant 0 : i32
      %dma_start3A_122 = tpu.memref_slice %arg9[%dma_start3A_113, %dma_start3A_120, %dma_start3A_121] : memref<8x32x128xf32, #tpu.memory_space<vmem>> -> memref<1x32x128xf32, #tpu.memory_space<vmem>>
      %dma_start3A_123 = tpu.memref_squeeze %dma_start3A_122 : memref<1x32x128xf32, #tpu.memory_space<vmem>> -> memref<32x128xf32, #tpu.memory_space<vmem>>
      %dma_start3A_124 = arith.constant 0 : i32
      %dma_start3A_125 = tpu.memref_slice %arg4[%dma_start3A_124, %multiple_of3A_105] : memref<32x1000000xf32, #tpu.memory_space<hbm>> -> memref<32x128xf32, #tpu.memory_space<hbm>>
      tpu.enqueue_dma source(%dma_start3A_125 : memref<32x128xf32, #tpu.memory_space<hbm>>) target(%dma_start3A_123 : memref<32x128xf32, #tpu.memory_space<vmem>>) target_semaphore(%arg12 : memref<!tpu.dma_semaphore, #tpu.memory_space<semaphore_mem>>)
      %dma_start3A_126 = arith.constant 2 : i32
      %dma_start3A_127 = arith.constant 0 : i32
      %dma_start3A_128 = arith.constant 0 : i32
      %dma_start3A_129 = tpu.memref_slice %arg10[%dma_start3A_126, %dma_start3A_127, %dma_start3A_128] : memref<8x32x128xf32, #tpu.memory_space<vmem>> -> memref<1x32x128xf32, #tpu.memory_space<vmem>>
      %dma_start3A_130 = tpu.memref_squeeze %dma_start3A_129 : memref<1x32x128xf32, #tpu.memory_space<vmem>> -> memref<32x128xf32, #tpu.memory_space<vmem>>
      %dma_start3A_131 = arith.constant 0 : i32
      %dma_start3A_132 = tpu.memref_slice %arg5[%dma_start3A_131, %multiple_of3A_112] : memref<32x1000000xf32, #tpu.memory_space<hbm>> -> memref<32x128xf32, #tpu.memory_space<hbm>>
      %dma_start3A_133 = arith.constant 0 : i32
      %dma_start3A_134 = arith.constant 0 : i32
      %dma_start3A_135 = tpu.memref_slice %arg10[%dma_start3A_126, %dma_start3A_133, %dma_start3A_134] : memref<8x32x128xf32, #tpu.memory_space<vmem>> -> memref<1x32x128xf32, #tpu.memory_space<vmem>>
      %dma_start3A_136 = tpu.memref_squeeze %dma_start3A_135 : memref<1x32x128xf32, #tpu.memory_space<vmem>> -> memref<32x128xf32, #tpu.memory_space<vmem>>
      %dma_start3A_137 = arith.constant 0 : i32
      %dma_start3A_138 = tpu.memref_slice %arg5[%dma_start3A_137, %multiple_of3A_112] : memref<32x1000000xf32, #tpu.memory_space<hbm>> -> memref<32x128xf32, #tpu.memory_space<hbm>>
      tpu.enqueue_dma source(%dma_start3A_138 : memref<32x128xf32, #tpu.memory_space<hbm>>) target(%dma_start3A_136 : memref<32x128xf32, #tpu.memory_space<vmem>>) target_semaphore(%arg12 : memref<!tpu.dma_semaphore, #tpu.memory_space<semaphore_mem>>)
      %slice3A_139 = vector.extract_strided_slice %get3A_13 {offsets = [3], sizes = [1], strides = [1]} : vector<16xi32> to vector<1xi32>
      %squeeze3A_140 = vector.extract %slice3A_139[0] : i32 from vector<1xi32>
      %shift_right_arithmetic3A_141 = arith.constant 7 : i32
      %shift_right_arithmetic3A_142 = arith.shrsi %squeeze3A_140, %shift_right_arithmetic3A_141 : i32
      %shift_left3A_143 = arith.constant 7 : i32
      %shift_left3A_144 = arith.shli %shift_right_arithmetic3A_142, %shift_left3A_143 : i32
      %multiple_of3A_145 = tpu.assume_multiple %shift_left3A_144, 128 : i32
      %slice3A_146 = vector.extract_strided_slice %get3A_17 {offsets = [3], sizes = [1], strides = [1]} : vector<16xi32> to vector<1xi32>
      %squeeze3A_147 = vector.extract %slice3A_146[0] : i32 from vector<1xi32>
      %shift_right_arithmetic3A_148 = arith.constant 7 : i32
      %shift_right_arithmetic3A_149 = arith.shrsi %squeeze3A_147, %shift_right_arithmetic3A_148 : i32
      %shift_left3A_150 = arith.constant 7 : i32
      %shift_left3A_151 = arith.shli %shift_right_arithmetic3A_149, %shift_left3A_150 : i32
      %multiple_of3A_152 = tpu.assume_multiple %shift_left3A_151, 128 : i32
      %dma_start3A_153 = arith.constant 3 : i32
      %dma_start3A_154 = arith.constant 0 : i32
      %dma_start3A_155 = arith.constant 0 : i32
      %dma_start3A_156 = tpu.memref_slice %arg9[%dma_start3A_153, %dma_start3A_154, %dma_start3A_155] : memref<8x32x128xf32, #tpu.memory_space<vmem>> -> memref<1x32x128xf32, #tpu.memory_space<vmem>>
      %dma_start3A_157 = tpu.memref_squeeze %dma_start3A_156 : memref<1x32x128xf32, #tpu.memory_space<vmem>> -> memref<32x128xf32, #tpu.memory_space<vmem>>
      %dma_start3A_158 = arith.constant 0 : i32
      %dma_start3A_159 = tpu.memref_slice %arg4[%dma_start3A_158, %multiple_of3A_145] : memref<32x1000000xf32, #tpu.memory_space<hbm>> -> memref<32x128xf32, #tpu.memory_space<hbm>>
      %dma_start3A_160 = arith.constant 0 : i32
      %dma_start3A_161 = arith.constant 0 : i32
      %dma_start3A_162 = tpu.memref_slice %arg9[%dma_start3A_153, %dma_start3A_160, %dma_start3A_161] : memref<8x32x128xf32, #tpu.memory_space<vmem>> -> memref<1x32x128xf32, #tpu.memory_space<vmem>>
      %dma_start3A_163 = tpu.memref_squeeze %dma_start3A_162 : memref<1x32x128xf32, #tpu.memory_space<vmem>> -> memref<32x128xf32, #tpu.memory_space<vmem>>
      %dma_start3A_164 = arith.constant 0 : i32
      %dma_start3A_165 = tpu.memref_slice %arg4[%dma_start3A_164, %multiple_of3A_145] : memref<32x1000000xf32, #tpu.memory_space<hbm>> -> memref<32x128xf32, #tpu.memory_space<hbm>>
      tpu.enqueue_dma source(%dma_start3A_165 : memref<32x128xf32, #tpu.memory_space<hbm>>) target(%dma_start3A_163 : memref<32x128xf32, #tpu.memory_space<vmem>>) target_semaphore(%arg12 : memref<!tpu.dma_semaphore, #tpu.memory_space<semaphore_mem>>)
      %dma_start3A_166 = arith.constant 3 : i32
      %dma_start3A_167 = arith.constant 0 : i32
      %dma_start3A_168 = arith.constant 0 : i32
      %dma_start3A_169 = tpu.memref_slice %arg10[%dma_start3A_166, %dma_start3A_167, %dma_start3A_168] : memref<8x32x128xf32, #tpu.memory_space<vmem>> -> memref<1x32x128xf32, #tpu.memory_space<vmem>>
      %dma_start3A_170 = tpu.memref_squeeze %dma_start3A_169 : memref<1x32x128xf32, #tpu.memory_space<vmem>> -> memref<32x128xf32, #tpu.memory_space<vmem>>
      %dma_start3A_171 = arith.constant 0 : i32
      %dma_start3A_172 = tpu.memref_slice %arg5[%dma_start3A_171, %multiple_of3A_152] : memref<32x1000000xf32, #tpu.memory_space<hbm>> -> memref<32x128xf32, #tpu.memory_space<hbm>>
      %dma_start3A_173 = arith.constant 0 : i32
      %dma_start3A_174 = arith.constant 0 : i32
      %dma_start3A_175 = tpu.memref_slice %arg10[%dma_start3A_166, %dma_start3A_173, %dma_start3A_174] : memref<8x32x128xf32, #tpu.memory_space<vmem>> -> memref<1x32x128xf32, #tpu.memory_space<vmem>>
      %dma_start3A_176 = tpu.memref_squeeze %dma_start3A_175 : memref<1x32x128xf32, #tpu.memory_space<vmem>> -> memref<32x128xf32, #tpu.memory_space<vmem>>
      %dma_start3A_177 = arith.constant 0 : i32
      %dma_start3A_178 = tpu.memref_slice %arg5[%dma_start3A_177, %multiple_of3A_152] : memref<32x1000000xf32, #tpu.memory_space<hbm>> -> memref<32x128xf32, #tpu.memory_space<hbm>>
      tpu.enqueue_dma source(%dma_start3A_178 : memref<32x128xf32, #tpu.memory_space<hbm>>) target(%dma_start3A_176 : memref<32x128xf32, #tpu.memory_space<vmem>>) target_semaphore(%arg12 : memref<!tpu.dma_semaphore, #tpu.memory_space<semaphore_mem>>)
      %slice3A_179 = vector.extract_strided_slice %get3A_13 {offsets = [4], sizes = [1], strides = [1]} : vector<16xi32> to vector<1xi32>
      %squeeze3A_180 = vector.extract %slice3A_179[0] : i32 from vector<1xi32>
      %shift_right_arithmetic3A_181 = arith.constant 7 : i32
      %shift_right_arithmetic3A_182 = arith.shrsi %squeeze3A_180, %shift_right_arithmetic3A_181 : i32
      %shift_left3A_183 = arith.constant 7 : i32
      %shift_left3A_184 = arith.shli %shift_right_arithmetic3A_182, %shift_left3A_183 : i32
      %multiple_of3A_185 = tpu.assume_multiple %shift_left3A_184, 128 : i32
      %slice3A_186 = vector.extract_strided_slice %get3A_17 {offsets = [4], sizes = [1], strides = [1]} : vector<16xi32> to vector<1xi32>
      %squeeze3A_187 = vector.extract %slice3A_186[0] : i32 from vector<1xi32>
      %shift_right_arithmetic3A_188 = arith.constant 7 : i32
      %shift_right_arithmetic3A_189 = arith.shrsi %squeeze3A_187, %shift_right_arithmetic3A_188 : i32
      %shift_left3A_190 = arith.constant 7 : i32
      %shift_left3A_191 = arith.shli %shift_right_arithmetic3A_189, %shift_left3A_190 : i32
      %multiple_of3A_192 = tpu.assume_multiple %shift_left3A_191, 128 : i32
      %dma_start3A_193 = arith.constant 4 : i32
      %dma_start3A_194 = arith.constant 0 : i32
      %dma_start3A_195 = arith.constant 0 : i32
      %dma_start3A_196 = tpu.memref_slice %arg9[%dma_start3A_193, %dma_start3A_194, %dma_start3A_195] : memref<8x32x128xf32, #tpu.memory_space<vmem>> -> memref<1x32x128xf32, #tpu.memory_space<vmem>>
      %dma_start3A_197 = tpu.memref_squeeze %dma_start3A_196 : memref<1x32x128xf32, #tpu.memory_space<vmem>> -> memref<32x128xf32, #tpu.memory_space<vmem>>
      %dma_start3A_198 = arith.constant 0 : i32
      %dma_start3A_199 = tpu.memref_slice %arg4[%dma_start3A_198, %multiple_of3A_185] : memref<32x1000000xf32, #tpu.memory_space<hbm>> -> memref<32x128xf32, #tpu.memory_space<hbm>>
      %dma_start3A_200 = arith.constant 0 : i32
      %dma_start3A_201 = arith.constant 0 : i32
      %dma_start3A_202 = tpu.memref_slice %arg9[%dma_start3A_193, %dma_start3A_200, %dma_start3A_201] : memref<8x32x128xf32, #tpu.memory_space<vmem>> -> memref<1x32x128xf32, #tpu.memory_space<vmem>>
      %dma_start3A_203 = tpu.memref_squeeze %dma_start3A_202 : memref<1x32x128xf32, #tpu.memory_space<vmem>> -> memref<32x128xf32, #tpu.memory_space<vmem>>
      %dma_start3A_204 = arith.constant 0 : i32
      %dma_start3A_205 = tpu.memref_slice %arg4[%dma_start3A_204, %multiple_of3A_185] : memref<32x1000000xf32, #tpu.memory_space<hbm>> -> memref<32x128xf32, #tpu.memory_space<hbm>>
      tpu.enqueue_dma source(%dma_start3A_205 : memref<32x128xf32, #tpu.memory_space<hbm>>) target(%dma_start3A_203 : memref<32x128xf32, #tpu.memory_space<vmem>>) target_semaphore(%arg12 : memref<!tpu.dma_semaphore, #tpu.memory_space<semaphore_mem>>)
      %dma_start3A_206 = arith.constant 4 : i32
      %dma_start3A_207 = arith.constant 0 : i32
      %dma_start3A_208 = arith.constant 0 : i32
      %dma_start3A_209 = tpu.memref_slice %arg10[%dma_start3A_206, %dma_start3A_207, %dma_start3A_208] : memref<8x32x128xf32, #tpu.memory_space<vmem>> -> memref<1x32x128xf32, #tpu.memory_space<vmem>>
      %dma_start3A_210 = tpu.memref_squeeze %dma_start3A_209 : memref<1x32x128xf32, #tpu.memory_space<vmem>> -> memref<32x128xf32, #tpu.memory_space<vmem>>
      %dma_start3A_211 = arith.constant 0 : i32
      %dma_start3A_212 = tpu.memref_slice %arg5[%dma_start3A_211, %multiple_of3A_192] : memref<32x1000000xf32, #tpu.memory_space<hbm>> -> memref<32x128xf32, #tpu.memory_space<hbm>>
      %dma_start3A_213 = arith.constant 0 : i32
      %dma_start3A_214 = arith.constant 0 : i32
      %dma_start3A_215 = tpu.memref_slice %arg10[%dma_start3A_206, %dma_start3A_213, %dma_start3A_214] : memref<8x32x128xf32, #tpu.memory_space<vmem>> -> memref<1x32x128xf32, #tpu.memory_space<vmem>>
      %dma_start3A_216 = tpu.memref_squeeze %dma_start3A_215 : memref<1x32x128xf32, #tpu.memory_space<vmem>> -> memref<32x128xf32, #tpu.memory_space<vmem>>
      %dma_start3A_217 = arith.constant 0 : i32
      %dma_start3A_218 = tpu.memref_slice %arg5[%dma_start3A_217, %multiple_of3A_192] : memref<32x1000000xf32, #tpu.memory_space<hbm>> -> memref<32x128xf32, #tpu.memory_space<hbm>>
      tpu.enqueue_dma source(%dma_start3A_218 : memref<32x128xf32, #tpu.memory_space<hbm>>) target(%dma_start3A_216 : memref<32x128xf32, #tpu.memory_space<vmem>>) target_semaphore(%arg12 : memref<!tpu.dma_semaphore, #tpu.memory_space<semaphore_mem>>)
      %slice3A_219 = vector.extract_strided_slice %get3A_13 {offsets = [5], sizes = [1], strides = [1]} : vector<16xi32> to vector<1xi32>
      %squeeze3A_220 = vector.extract %slice3A_219[0] : i32 from vector<1xi32>
      %shift_right_arithmetic3A_221 = arith.constant 7 : i32
      %shift_right_arithmetic3A_222 = arith.shrsi %squeeze3A_220, %shift_right_arithmetic3A_221 : i32
      %shift_left3A_223 = arith.constant 7 : i32
      %shift_left3A_224 = arith.shli %shift_right_arithmetic3A_222, %shift_left3A_223 : i32
      %multiple_of3A_225 = tpu.assume_multiple %shift_left3A_224, 128 : i32
      %slice3A_226 = vector.extract_strided_slice %get3A_17 {offsets = [5], sizes = [1], strides = [1]} : vector<16xi32> to vector<1xi32>
      %squeeze3A_227 = vector.extract %slice3A_226[0] : i32 from vector<1xi32>
      %shift_right_arithmetic3A_228 = arith.constant 7 : i32
      %shift_right_arithmetic3A_229 = arith.shrsi %squeeze3A_227, %shift_right_arithmetic3A_228 : i32
      %shift_left3A_230 = arith.constant 7 : i32
      %shift_left3A_231 = arith.shli %shift_right_arithmetic3A_229, %shift_left3A_230 : i32
      %multiple_of3A_232 = tpu.assume_multiple %shift_left3A_231, 128 : i32
      %dma_start3A_233 = arith.constant 5 : i32
      %dma_start3A_234 = arith.constant 0 : i32
      %dma_start3A_235 = arith.constant 0 : i32
      %dma_start3A_236 = tpu.memref_slice %arg9[%dma_start3A_233, %dma_start3A_234, %dma_start3A_235] : memref<8x32x128xf32, #tpu.memory_space<vmem>> -> memref<1x32x128xf32, #tpu.memory_space<vmem>>
      %dma_start3A_237 = tpu.memref_squeeze %dma_start3A_236 : memref<1x32x128xf32, #tpu.memory_space<vmem>> -> memref<32x128xf32, #tpu.memory_space<vmem>>
      %dma_start3A_238 = arith.constant 0 : i32
      %dma_start3A_239 = tpu.memref_slice %arg4[%dma_start3A_238, %multiple_of3A_225] : memref<32x1000000xf32, #tpu.memory_space<hbm>> -> memref<32x128xf32, #tpu.memory_space<hbm>>
      %dma_start3A_240 = arith.constant 0 : i32
      %dma_start3A_241 = arith.constant 0 : i32
      %dma_start3A_242 = tpu.memref_slice %arg9[%dma_start3A_233, %dma_start3A_240, %dma_start3A_241] : memref<8x32x128xf32, #tpu.memory_space<vmem>> -> memref<1x32x128xf32, #tpu.memory_space<vmem>>
      %dma_start3A_243 = tpu.memref_squeeze %dma_start3A_242 : memref<1x32x128xf32, #tpu.memory_space<vmem>> -> memref<32x128xf32, #tpu.memory_space<vmem>>
      %dma_start3A_244 = arith.constant 0 : i32
      %dma_start3A_245 = tpu.memref_slice %arg4[%dma_start3A_244, %multiple_of3A_225] : memref<32x1000000xf32, #tpu.memory_space<hbm>> -> memref<32x128xf32, #tpu.memory_space<hbm>>
      tpu.enqueue_dma source(%dma_start3A_245 : memref<32x128xf32, #tpu.memory_space<hbm>>) target(%dma_start3A_243 : memref<32x128xf32, #tpu.memory_space<vmem>>) target_semaphore(%arg12 : memref<!tpu.dma_semaphore, #tpu.memory_space<semaphore_mem>>)
      %dma_start3A_246 = arith.constant 5 : i32
      %dma_start3A_247 = arith.constant 0 : i32
      %dma_start3A_248 = arith.constant 0 : i32
      %dma_start3A_249 = tpu.memref_slice %arg10[%dma_start3A_246, %dma_start3A_247, %dma_start3A_248] : memref<8x32x128xf32, #tpu.memory_space<vmem>> -> memref<1x32x128xf32, #tpu.memory_space<vmem>>
      %dma_start3A_250 = tpu.memref_squeeze %dma_start3A_249 : memref<1x32x128xf32, #tpu.memory_space<vmem>> -> memref<32x128xf32, #tpu.memory_space<vmem>>
      %dma_start3A_251 = arith.constant 0 : i32
      %dma_start3A_252 = tpu.memref_slice %arg5[%dma_start3A_251, %multiple_of3A_232] : memref<32x1000000xf32, #tpu.memory_space<hbm>> -> memref<32x128xf32, #tpu.memory_space<hbm>>
      %dma_start3A_253 = arith.constant 0 : i32
      %dma_start3A_254 = arith.constant 0 : i32
      %dma_start3A_255 = tpu.memref_slice %arg10[%dma_start3A_246, %dma_start3A_253, %dma_start3A_254] : memref<8x32x128xf32, #tpu.memory_space<vmem>> -> memref<1x32x128xf32, #tpu.memory_space<vmem>>
      %dma_start3A_256 = tpu.memref_squeeze %dma_start3A_255 : memref<1x32x128xf32, #tpu.memory_space<vmem>> -> memref<32x128xf32, #tpu.memory_space<vmem>>
      %dma_start3A_257 = arith.constant 0 : i32
      %dma_start3A_258 = tpu.memref_slice %arg5[%dma_start3A_257, %multiple_of3A_232] : memref<32x1000000xf32, #tpu.memory_space<hbm>> -> memref<32x128xf32, #tpu.memory_space<hbm>>
      tpu.enqueue_dma source(%dma_start3A_258 : memref<32x128xf32, #tpu.memory_space<hbm>>) target(%dma_start3A_256 : memref<32x128xf32, #tpu.memory_space<vmem>>) target_semaphore(%arg12 : memref<!tpu.dma_semaphore, #tpu.memory_space<semaphore_mem>>)
      %slice3A_259 = vector.extract_strided_slice %get3A_13 {offsets = [6], sizes = [1], strides = [1]} : vector<16xi32> to vector<1xi32>
      %squeeze3A_260 = vector.extract %slice3A_259[0] : i32 from vector<1xi32>
      %shift_right_arithmetic3A_261 = arith.constant 7 : i32
      %shift_right_arithmetic3A_262 = arith.shrsi %squeeze3A_260, %shift_right_arithmetic3A_261 : i32
      %shift_left3A_263 = arith.constant 7 : i32
      %shift_left3A_264 = arith.shli %shift_right_arithmetic3A_262, %shift_left3A_263 : i32
      %multiple_of3A_265 = tpu.assume_multiple %shift_left3A_264, 128 : i32
      %slice3A_266 = vector.extract_strided_slice %get3A_17 {offsets = [6], sizes = [1], strides = [1]} : vector<16xi32> to vector<1xi32>
      %squeeze3A_267 = vector.extract %slice3A_266[0] : i32 from vector<1xi32>
      %shift_right_arithmetic3A_268 = arith.constant 7 : i32
      %shift_right_arithmetic3A_269 = arith.shrsi %squeeze3A_267, %shift_right_arithmetic3A_268 : i32
      %shift_left3A_270 = arith.constant 7 : i32
      %shift_left3A_271 = arith.shli %shift_right_arithmetic3A_269, %shift_left3A_270 : i32
      %multiple_of3A_272 = tpu.assume_multiple %shift_left3A_271, 128 : i32
      %dma_start3A_273 = arith.constant 6 : i32
      %dma_start3A_274 = arith.constant 0 : i32
      %dma_start3A_275 = arith.constant 0 : i32
      %dma_start3A_276 = tpu.memref_slice %arg9[%dma_start3A_273, %dma_start3A_274, %dma_start3A_275] : memref<8x32x128xf32, #tpu.memory_space<vmem>> -> memref<1x32x128xf32, #tpu.memory_space<vmem>>
      %dma_start3A_277 = tpu.memref_squeeze %dma_start3A_276 : memref<1x32x128xf32, #tpu.memory_space<vmem>> -> memref<32x128xf32, #tpu.memory_space<vmem>>
      %dma_start3A_278 = arith.constant 0 : i32
      %dma_start3A_279 = tpu.memref_slice %arg4[%dma_start3A_278, %multiple_of3A_265] : memref<32x1000000xf32, #tpu.memory_space<hbm>> -> memref<32x128xf32, #tpu.memory_space<hbm>>
      %dma_start3A_280 = arith.constant 0 : i32
      %dma_start3A_281 = arith.constant 0 : i32
      %dma_start3A_282 = tpu.memref_slice %arg9[%dma_start3A_273, %dma_start3A_280, %dma_start3A_281] : memref<8x32x128xf32, #tpu.memory_space<vmem>> -> memref<1x32x128xf32, #tpu.memory_space<vmem>>
      %dma_start3A_283 = tpu.memref_squeeze %dma_start3A_282 : memref<1x32x128xf32, #tpu.memory_space<vmem>> -> memref<32x128xf32, #tpu.memory_space<vmem>>
      %dma_start3A_284 = arith.constant 0 : i32
      %dma_start3A_285 = tpu.memref_slice %arg4[%dma_start3A_284, %multiple_of3A_265] : memref<32x1000000xf32, #tpu.memory_space<hbm>> -> memref<32x128xf32, #tpu.memory_space<hbm>>
      tpu.enqueue_dma source(%dma_start3A_285 : memref<32x128xf32, #tpu.memory_space<hbm>>) target(%dma_start3A_283 : memref<32x128xf32, #tpu.memory_space<vmem>>) target_semaphore(%arg12 : memref<!tpu.dma_semaphore, #tpu.memory_space<semaphore_mem>>)
      %dma_start3A_286 = arith.constant 6 : i32
      %dma_start3A_287 = arith.constant 0 : i32
      %dma_start3A_288 = arith.constant 0 : i32
      %dma_start3A_289 = tpu.memref_slice %arg10[%dma_start3A_286, %dma_start3A_287, %dma_start3A_288] : memref<8x32x128xf32, #tpu.memory_space<vmem>> -> memref<1x32x128xf32, #tpu.memory_space<vmem>>
      %dma_start3A_290 = tpu.memref_squeeze %dma_start3A_289 : memref<1x32x128xf32, #tpu.memory_space<vmem>> -> memref<32x128xf32, #tpu.memory_space<vmem>>
      %dma_start3A_291 = arith.constant 0 : i32
      %dma_start3A_292 = tpu.memref_slice %arg5[%dma_start3A_291, %multiple_of3A_272] : memref<32x1000000xf32, #tpu.memory_space<hbm>> -> memref<32x128xf32, #tpu.memory_space<hbm>>
      %dma_start3A_293 = arith.constant 0 : i32
      %dma_start3A_294 = arith.constant 0 : i32
      %dma_start3A_295 = tpu.memref_slice %arg10[%dma_start3A_286, %dma_start3A_293, %dma_start3A_294] : memref<8x32x128xf32, #tpu.memory_space<vmem>> -> memref<1x32x128xf32, #tpu.memory_space<vmem>>
      %dma_start3A_296 = tpu.memref_squeeze %dma_start3A_295 : memref<1x32x128xf32, #tpu.memory_space<vmem>> -> memref<32x128xf32, #tpu.memory_space<vmem>>
      %dma_start3A_297 = arith.constant 0 : i32
      %dma_start3A_298 = tpu.memref_slice %arg5[%dma_start3A_297, %multiple_of3A_272] : memref<32x1000000xf32, #tpu.memory_space<hbm>> -> memref<32x128xf32, #tpu.memory_space<hbm>>
      tpu.enqueue_dma source(%dma_start3A_298 : memref<32x128xf32, #tpu.memory_space<hbm>>) target(%dma_start3A_296 : memref<32x128xf32, #tpu.memory_space<vmem>>) target_semaphore(%arg12 : memref<!tpu.dma_semaphore, #tpu.memory_space<semaphore_mem>>)
      %slice3A_299 = vector.extract_strided_slice %get3A_13 {offsets = [7], sizes = [1], strides = [1]} : vector<16xi32> to vector<1xi32>
      %squeeze3A_300 = vector.extract %slice3A_299[0] : i32 from vector<1xi32>
      %shift_right_arithmetic3A_301 = arith.constant 7 : i32
      %shift_right_arithmetic3A_302 = arith.shrsi %squeeze3A_300, %shift_right_arithmetic3A_301 : i32
      %shift_left3A_303 = arith.constant 7 : i32
      %shift_left3A_304 = arith.shli %shift_right_arithmetic3A_302, %shift_left3A_303 : i32
      %multiple_of3A_305 = tpu.assume_multiple %shift_left3A_304, 128 : i32
      %slice3A_306 = vector.extract_strided_slice %get3A_17 {offsets = [7], sizes = [1], strides = [1]} : vector<16xi32> to vector<1xi32>
      %squeeze3A_307 = vector.extract %slice3A_306[0] : i32 from vector<1xi32>
      %shift_right_arithmetic3A_308 = arith.constant 7 : i32
      %shift_right_arithmetic3A_309 = arith.shrsi %squeeze3A_307, %shift_right_arithmetic3A_308 : i32
      %shift_left3A_310 = arith.constant 7 : i32
      %shift_left3A_311 = arith.shli %shift_right_arithmetic3A_309, %shift_left3A_310 : i32
      %multiple_of3A_312 = tpu.assume_multiple %shift_left3A_311, 128 : i32
      %dma_start3A_313 = arith.constant 7 : i32
      %dma_start3A_314 = arith.constant 0 : i32
      %dma_start3A_315 = arith.constant 0 : i32
      %dma_start3A_316 = tpu.memref_slice %arg9[%dma_start3A_313, %dma_start3A_314, %dma_start3A_315] : memref<8x32x128xf32, #tpu.memory_space<vmem>> -> memref<1x32x128xf32, #tpu.memory_space<vmem>>
      %dma_start3A_317 = tpu.memref_squeeze %dma_start3A_316 : memref<1x32x128xf32, #tpu.memory_space<vmem>> -> memref<32x128xf32, #tpu.memory_space<vmem>>
      %dma_start3A_318 = arith.constant 0 : i32
      %dma_start3A_319 = tpu.memref_slice %arg4[%dma_start3A_318, %multiple_of3A_305] : memref<32x1000000xf32, #tpu.memory_space<hbm>> -> memref<32x128xf32, #tpu.memory_space<hbm>>
      %dma_start3A_320 = arith.constant 0 : i32
      %dma_start3A_321 = arith.constant 0 : i32
      %dma_start3A_322 = tpu.memref_slice %arg9[%dma_start3A_313, %dma_start3A_320, %dma_start3A_321] : memref<8x32x128xf32, #tpu.memory_space<vmem>> -> memref<1x32x128xf32, #tpu.memory_space<vmem>>
      %dma_start3A_323 = tpu.memref_squeeze %dma_start3A_322 : memref<1x32x128xf32, #tpu.memory_space<vmem>> -> memref<32x128xf32, #tpu.memory_space<vmem>>
      %dma_start3A_324 = arith.constant 0 : i32
      %dma_start3A_325 = tpu.memref_slice %arg4[%dma_start3A_324, %multiple_of3A_305] : memref<32x1000000xf32, #tpu.memory_space<hbm>> -> memref<32x128xf32, #tpu.memory_space<hbm>>
      tpu.enqueue_dma source(%dma_start3A_325 : memref<32x128xf32, #tpu.memory_space<hbm>>) target(%dma_start3A_323 : memref<32x128xf32, #tpu.memory_space<vmem>>) target_semaphore(%arg12 : memref<!tpu.dma_semaphore, #tpu.memory_space<semaphore_mem>>)
      %dma_start3A_326 = arith.constant 7 : i32
      %dma_start3A_327 = arith.constant 0 : i32
      %dma_start3A_328 = arith.constant 0 : i32
      %dma_start3A_329 = tpu.memref_slice %arg10[%dma_start3A_326, %dma_start3A_327, %dma_start3A_328] : memref<8x32x128xf32, #tpu.memory_space<vmem>> -> memref<1x32x128xf32, #tpu.memory_space<vmem>>
      %dma_start3A_330 = tpu.memref_squeeze %dma_start3A_329 : memref<1x32x128xf32, #tpu.memory_space<vmem>> -> memref<32x128xf32, #tpu.memory_space<vmem>>
      %dma_start3A_331 = arith.constant 0 : i32
      %dma_start3A_332 = tpu.memref_slice %arg5[%dma_start3A_331, %multiple_of3A_312] : memref<32x1000000xf32, #tpu.memory_space<hbm>> -> memref<32x128xf32, #tpu.memory_space<hbm>>
      %dma_start3A_333 = arith.constant 0 : i32
      %dma_start3A_334 = arith.constant 0 : i32
      %dma_start3A_335 = tpu.memref_slice %arg10[%dma_start3A_326, %dma_start3A_333, %dma_start3A_334] : memref<8x32x128xf32, #tpu.memory_space<vmem>> -> memref<1x32x128xf32, #tpu.memory_space<vmem>>
      %dma_start3A_336 = tpu.memref_squeeze %dma_start3A_335 : memref<1x32x128xf32, #tpu.memory_space<vmem>> -> memref<32x128xf32, #tpu.memory_space<vmem>>
      %dma_start3A_337 = arith.constant 0 : i32
      %dma_start3A_338 = tpu.memref_slice %arg5[%dma_start3A_337, %multiple_of3A_312] : memref<32x1000000xf32, #tpu.memory_space<hbm>> -> memref<32x128xf32, #tpu.memory_space<hbm>>
      tpu.enqueue_dma source(%dma_start3A_338 : memref<32x128xf32, #tpu.memory_space<hbm>>) target(%dma_start3A_336 : memref<32x128xf32, #tpu.memory_space<vmem>>) target_semaphore(%arg12 : memref<!tpu.dma_semaphore, #tpu.memory_space<semaphore_mem>>)
      %dma_wait3A = arith.constant 0 : i32
      %dma_wait3A_339 = arith.constant 0 : i32
      %dma_wait3A_340 = arith.constant 0 : i32
      %dma_wait3A_341 = tpu.memref_slice %arg9[%dma_wait3A, %dma_wait3A_339, %dma_wait3A_340] : memref<8x32x128xf32, #tpu.memory_space<vmem>> -> memref<1x32x128xf32, #tpu.memory_space<vmem>>
      %dma_wait3A_342 = tpu.memref_squeeze %dma_wait3A_341 : memref<1x32x128xf32, #tpu.memory_space<vmem>> -> memref<32x128xf32, #tpu.memory_space<vmem>>
      %dma_wait3A_343 = arith.constant 0 : i32
      %dma_wait3A_344 = arith.constant 0 : i32
      %dma_wait3A_345 = tpu.memref_slice %arg4[%dma_wait3A_343, %dma_wait3A_344] : memref<32x1000000xf32, #tpu.memory_space<hbm>> -> memref<32x128xf32, #tpu.memory_space<hbm>>
      %dma_wait3A_346 = arith.constant 0 : i32
      %dma_wait3A_347 = arith.constant 0 : i32
      %dma_wait3A_348 = tpu.memref_slice %arg9[%dma_wait3A, %dma_wait3A_346, %dma_wait3A_347] : memref<8x32x128xf32, #tpu.memory_space<vmem>> -> memref<1x32x128xf32, #tpu.memory_space<vmem>>
      %dma_wait3A_349 = tpu.memref_squeeze %dma_wait3A_348 : memref<1x32x128xf32, #tpu.memory_space<vmem>> -> memref<32x128xf32, #tpu.memory_space<vmem>>
      %dma_wait3A_350 = arith.constant 0 : i32
      %dma_wait3A_351 = arith.constant 0 : i32
      %dma_wait3A_352 = tpu.memref_slice %arg4[%dma_wait3A_350, %dma_wait3A_351] : memref<32x1000000xf32, #tpu.memory_space<hbm>> -> memref<32x128xf32, #tpu.memory_space<hbm>>
      tpu.wait_dma2 semaphore(%arg12 : memref<!tpu.dma_semaphore, #tpu.memory_space<semaphore_mem>>) src(%dma_wait3A_352 : memref<32x128xf32, #tpu.memory_space<hbm>>) dst(%dma_wait3A_349 : memref<32x128xf32, #tpu.memory_space<vmem>>)
      %dma_wait3A_353 = arith.constant 0 : i32
      %dma_wait3A_354 = arith.constant 0 : i32
      %dma_wait3A_355 = arith.constant 0 : i32
      %dma_wait3A_356 = tpu.memref_slice %arg10[%dma_wait3A_353, %dma_wait3A_354, %dma_wait3A_355] : memref<8x32x128xf32, #tpu.memory_space<vmem>> -> memref<1x32x128xf32, #tpu.memory_space<vmem>>
      %dma_wait3A_357 = tpu.memref_squeeze %dma_wait3A_356 : memref<1x32x128xf32, #tpu.memory_space<vmem>> -> memref<32x128xf32, #tpu.memory_space<vmem>>
      %dma_wait3A_358 = arith.constant 0 : i32
      %dma_wait3A_359 = arith.constant 0 : i32
      %dma_wait3A_360 = tpu.memref_slice %arg5[%dma_wait3A_358, %dma_wait3A_359] : memref<32x1000000xf32, #tpu.memory_space<hbm>> -> memref<32x128xf32, #tpu.memory_space<hbm>>
      %dma_wait3A_361 = arith.constant 0 : i32
      %dma_wait3A_362 = arith.constant 0 : i32
      %dma_wait3A_363 = tpu.memref_slice %arg10[%dma_wait3A_353, %dma_wait3A_361, %dma_wait3A_362] : memref<8x32x128xf32, #tpu.memory_space<vmem>> -> memref<1x32x128xf32, #tpu.memory_space<vmem>>
      %dma_wait3A_364 = tpu.memref_squeeze %dma_wait3A_363 : memref<1x32x128xf32, #tpu.memory_space<vmem>> -> memref<32x128xf32, #tpu.memory_space<vmem>>
      %dma_wait3A_365 = arith.constant 0 : i32
      %dma_wait3A_366 = arith.constant 0 : i32
      %dma_wait3A_367 = tpu.memref_slice %arg5[%dma_wait3A_365, %dma_wait3A_366] : memref<32x1000000xf32, #tpu.memory_space<hbm>> -> memref<32x128xf32, #tpu.memory_space<hbm>>
      tpu.wait_dma2 semaphore(%arg12 : memref<!tpu.dma_semaphore, #tpu.memory_space<semaphore_mem>>) src(%dma_wait3A_367 : memref<32x128xf32, #tpu.memory_space<hbm>>) dst(%dma_wait3A_364 : memref<32x128xf32, #tpu.memory_space<vmem>>)
      %dma_wait3A_368 = arith.constant 1 : i32
      %dma_wait3A_369 = arith.constant 0 : i32
      %dma_wait3A_370 = arith.constant 0 : i32
      %dma_wait3A_371 = tpu.memref_slice %arg9[%dma_wait3A_368, %dma_wait3A_369, %dma_wait3A_370] : memref<8x32x128xf32, #tpu.memory_space<vmem>> -> memref<1x32x128xf32, #tpu.memory_space<vmem>>
      %dma_wait3A_372 = tpu.memref_squeeze %dma_wait3A_371 : memref<1x32x128xf32, #tpu.memory_space<vmem>> -> memref<32x128xf32, #tpu.memory_space<vmem>>
      %dma_wait3A_373 = arith.constant 0 : i32
      %dma_wait3A_374 = arith.constant 0 : i32
      %dma_wait3A_375 = tpu.memref_slice %arg4[%dma_wait3A_373, %dma_wait3A_374] : memref<32x1000000xf32, #tpu.memory_space<hbm>> -> memref<32x128xf32, #tpu.memory_space<hbm>>
      %dma_wait3A_376 = arith.constant 0 : i32
      %dma_wait3A_377 = arith.constant 0 : i32
      %dma_wait3A_378 = tpu.memref_slice %arg9[%dma_wait3A_368, %dma_wait3A_376, %dma_wait3A_377] : memref<8x32x128xf32, #tpu.memory_space<vmem>> -> memref<1x32x128xf32, #tpu.memory_space<vmem>>
      %dma_wait3A_379 = tpu.memref_squeeze %dma_wait3A_378 : memref<1x32x128xf32, #tpu.memory_space<vmem>> -> memref<32x128xf32, #tpu.memory_space<vmem>>
      %dma_wait3A_380 = arith.constant 0 : i32
      %dma_wait3A_381 = arith.constant 0 : i32
      %dma_wait3A_382 = tpu.memref_slice %arg4[%dma_wait3A_380, %dma_wait3A_381] : memref<32x1000000xf32, #tpu.memory_space<hbm>> -> memref<32x128xf32, #tpu.memory_space<hbm>>
      tpu.wait_dma2 semaphore(%arg12 : memref<!tpu.dma_semaphore, #tpu.memory_space<semaphore_mem>>) src(%dma_wait3A_382 : memref<32x128xf32, #tpu.memory_space<hbm>>) dst(%dma_wait3A_379 : memref<32x128xf32, #tpu.memory_space<vmem>>)
      %dma_wait3A_383 = arith.constant 1 : i32
      %dma_wait3A_384 = arith.constant 0 : i32
      %dma_wait3A_385 = arith.constant 0 : i32
      %dma_wait3A_386 = tpu.memref_slice %arg10[%dma_wait3A_383, %dma_wait3A_384, %dma_wait3A_385] : memref<8x32x128xf32, #tpu.memory_space<vmem>> -> memref<1x32x128xf32, #tpu.memory_space<vmem>>
      %dma_wait3A_387 = tpu.memref_squeeze %dma_wait3A_386 : memref<1x32x128xf32, #tpu.memory_space<vmem>> -> memref<32x128xf32, #tpu.memory_space<vmem>>
      %dma_wait3A_388 = arith.constant 0 : i32
      %dma_wait3A_389 = arith.constant 0 : i32
      %dma_wait3A_390 = tpu.memref_slice %arg5[%dma_wait3A_388, %dma_wait3A_389] : memref<32x1000000xf32, #tpu.memory_space<hbm>> -> memref<32x128xf32, #tpu.memory_space<hbm>>
      %dma_wait3A_391 = arith.constant 0 : i32
      %dma_wait3A_392 = arith.constant 0 : i32
      %dma_wait3A_393 = tpu.memref_slice %arg10[%dma_wait3A_383, %dma_wait3A_391, %dma_wait3A_392] : memref<8x32x128xf32, #tpu.memory_space<vmem>> -> memref<1x32x128xf32, #tpu.memory_space<vmem>>
      %dma_wait3A_394 = tpu.memref_squeeze %dma_wait3A_393 : memref<1x32x128xf32, #tpu.memory_space<vmem>> -> memref<32x128xf32, #tpu.memory_space<vmem>>
      %dma_wait3A_395 = arith.constant 0 : i32
      %dma_wait3A_396 = arith.constant 0 : i32
      %dma_wait3A_397 = tpu.memref_slice %arg5[%dma_wait3A_395, %dma_wait3A_396] : memref<32x1000000xf32, #tpu.memory_space<hbm>> -> memref<32x128xf32, #tpu.memory_space<hbm>>
      tpu.wait_dma2 semaphore(%arg12 : memref<!tpu.dma_semaphore, #tpu.memory_space<semaphore_mem>>) src(%dma_wait3A_397 : memref<32x128xf32, #tpu.memory_space<hbm>>) dst(%dma_wait3A_394 : memref<32x128xf32, #tpu.memory_space<vmem>>)
      %dma_wait3A_398 = arith.constant 2 : i32
      %dma_wait3A_399 = arith.constant 0 : i32
      %dma_wait3A_400 = arith.constant 0 : i32
      %dma_wait3A_401 = tpu.memref_slice %arg9[%dma_wait3A_398, %dma_wait3A_399, %dma_wait3A_400] : memref<8x32x128xf32, #tpu.memory_space<vmem>> -> memref<1x32x128xf32, #tpu.memory_space<vmem>>
      %dma_wait3A_402 = tpu.memref_squeeze %dma_wait3A_401 : memref<1x32x128xf32, #tpu.memory_space<vmem>> -> memref<32x128xf32, #tpu.memory_space<vmem>>
      %dma_wait3A_403 = arith.constant 0 : i32
      %dma_wait3A_404 = arith.constant 0 : i32
      %dma_wait3A_405 = tpu.memref_slice %arg4[%dma_wait3A_403, %dma_wait3A_404] : memref<32x1000000xf32, #tpu.memory_space<hbm>> -> memref<32x128xf32, #tpu.memory_space<hbm>>
      %dma_wait3A_406 = arith.constant 0 : i32
      %dma_wait3A_407 = arith.constant 0 : i32
      %dma_wait3A_408 = tpu.memref_slice %arg9[%dma_wait3A_398, %dma_wait3A_406, %dma_wait3A_407] : memref<8x32x128xf32, #tpu.memory_space<vmem>> -> memref<1x32x128xf32, #tpu.memory_space<vmem>>
      %dma_wait3A_409 = tpu.memref_squeeze %dma_wait3A_408 : memref<1x32x128xf32, #tpu.memory_space<vmem>> -> memref<32x128xf32, #tpu.memory_space<vmem>>
      %dma_wait3A_410 = arith.constant 0 : i32
      %dma_wait3A_411 = arith.constant 0 : i32
      %dma_wait3A_412 = tpu.memref_slice %arg4[%dma_wait3A_410, %dma_wait3A_411] : memref<32x1000000xf32, #tpu.memory_space<hbm>> -> memref<32x128xf32, #tpu.memory_space<hbm>>
      tpu.wait_dma2 semaphore(%arg12 : memref<!tpu.dma_semaphore, #tpu.memory_space<semaphore_mem>>) src(%dma_wait3A_412 : memref<32x128xf32, #tpu.memory_space<hbm>>) dst(%dma_wait3A_409 : memref<32x128xf32, #tpu.memory_space<vmem>>)
      %dma_wait3A_413 = arith.constant 2 : i32
      %dma_wait3A_414 = arith.constant 0 : i32
      %dma_wait3A_415 = arith.constant 0 : i32
      %dma_wait3A_416 = tpu.memref_slice %arg10[%dma_wait3A_413, %dma_wait3A_414, %dma_wait3A_415] : memref<8x32x128xf32, #tpu.memory_space<vmem>> -> memref<1x32x128xf32, #tpu.memory_space<vmem>>
      %dma_wait3A_417 = tpu.memref_squeeze %dma_wait3A_416 : memref<1x32x128xf32, #tpu.memory_space<vmem>> -> memref<32x128xf32, #tpu.memory_space<vmem>>
      %dma_wait3A_418 = arith.constant 0 : i32
      %dma_wait3A_419 = arith.constant 0 : i32
      %dma_wait3A_420 = tpu.memref_slice %arg5[%dma_wait3A_418, %dma_wait3A_419] : memref<32x1000000xf32, #tpu.memory_space<hbm>> -> memref<32x128xf32, #tpu.memory_space<hbm>>
      %dma_wait3A_421 = arith.constant 0 : i32
      %dma_wait3A_422 = arith.constant 0 : i32
      %dma_wait3A_423 = tpu.memref_slice %arg10[%dma_wait3A_413, %dma_wait3A_421, %dma_wait3A_422] : memref<8x32x128xf32, #tpu.memory_space<vmem>> -> memref<1x32x128xf32, #tpu.memory_space<vmem>>
      %dma_wait3A_424 = tpu.memref_squeeze %dma_wait3A_423 : memref<1x32x128xf32, #tpu.memory_space<vmem>> -> memref<32x128xf32, #tpu.memory_space<vmem>>
      %dma_wait3A_425 = arith.constant 0 : i32
      %dma_wait3A_426 = arith.constant 0 : i32
      %dma_wait3A_427 = tpu.memref_slice %arg5[%dma_wait3A_425, %dma_wait3A_426] : memref<32x1000000xf32, #tpu.memory_space<hbm>> -> memref<32x128xf32, #tpu.memory_space<hbm>>
      tpu.wait_dma2 semaphore(%arg12 : memref<!tpu.dma_semaphore, #tpu.memory_space<semaphore_mem>>) src(%dma_wait3A_427 : memref<32x128xf32, #tpu.memory_space<hbm>>) dst(%dma_wait3A_424 : memref<32x128xf32, #tpu.memory_space<vmem>>)
      %dma_wait3A_428 = arith.constant 3 : i32
      %dma_wait3A_429 = arith.constant 0 : i32
      %dma_wait3A_430 = arith.constant 0 : i32
      %dma_wait3A_431 = tpu.memref_slice %arg9[%dma_wait3A_428, %dma_wait3A_429, %dma_wait3A_430] : memref<8x32x128xf32, #tpu.memory_space<vmem>> -> memref<1x32x128xf32, #tpu.memory_space<vmem>>
      %dma_wait3A_432 = tpu.memref_squeeze %dma_wait3A_431 : memref<1x32x128xf32, #tpu.memory_space<vmem>> -> memref<32x128xf32, #tpu.memory_space<vmem>>
      %dma_wait3A_433 = arith.constant 0 : i32
      %dma_wait3A_434 = arith.constant 0 : i32
      %dma_wait3A_435 = tpu.memref_slice %arg4[%dma_wait3A_433, %dma_wait3A_434] : memref<32x1000000xf32, #tpu.memory_space<hbm>> -> memref<32x128xf32, #tpu.memory_space<hbm>>
      %dma_wait3A_436 = arith.constant 0 : i32
      %dma_wait3A_437 = arith.constant 0 : i32
      %dma_wait3A_438 = tpu.memref_slice %arg9[%dma_wait3A_428, %dma_wait3A_436, %dma_wait3A_437] : memref<8x32x128xf32, #tpu.memory_space<vmem>> -> memref<1x32x128xf32, #tpu.memory_space<vmem>>
      %dma_wait3A_439 = tpu.memref_squeeze %dma_wait3A_438 : memref<1x32x128xf32, #tpu.memory_space<vmem>> -> memref<32x128xf32, #tpu.memory_space<vmem>>
      %dma_wait3A_440 = arith.constant 0 : i32
      %dma_wait3A_441 = arith.constant 0 : i32
      %dma_wait3A_442 = tpu.memref_slice %arg4[%dma_wait3A_440, %dma_wait3A_441] : memref<32x1000000xf32, #tpu.memory_space<hbm>> -> memref<32x128xf32, #tpu.memory_space<hbm>>
      tpu.wait_dma2 semaphore(%arg12 : memref<!tpu.dma_semaphore, #tpu.memory_space<semaphore_mem>>) src(%dma_wait3A_442 : memref<32x128xf32, #tpu.memory_space<hbm>>) dst(%dma_wait3A_439 : memref<32x128xf32, #tpu.memory_space<vmem>>)
      %dma_wait3A_443 = arith.constant 3 : i32
      %dma_wait3A_444 = arith.constant 0 : i32
      %dma_wait3A_445 = arith.constant 0 : i32
      %dma_wait3A_446 = tpu.memref_slice %arg10[%dma_wait3A_443, %dma_wait3A_444, %dma_wait3A_445] : memref<8x32x128xf32, #tpu.memory_space<vmem>> -> memref<1x32x128xf32, #tpu.memory_space<vmem>>
      %dma_wait3A_447 = tpu.memref_squeeze %dma_wait3A_446 : memref<1x32x128xf32, #tpu.memory_space<vmem>> -> memref<32x128xf32, #tpu.memory_space<vmem>>
      %dma_wait3A_448 = arith.constant 0 : i32
      %dma_wait3A_449 = arith.constant 0 : i32
      %dma_wait3A_450 = tpu.memref_slice %arg5[%dma_wait3A_448, %dma_wait3A_449] : memref<32x1000000xf32, #tpu.memory_space<hbm>> -> memref<32x128xf32, #tpu.memory_space<hbm>>
      %dma_wait3A_451 = arith.constant 0 : i32
      %dma_wait3A_452 = arith.constant 0 : i32
      %dma_wait3A_453 = tpu.memref_slice %arg10[%dma_wait3A_443, %dma_wait3A_451, %dma_wait3A_452] : memref<8x32x128xf32, #tpu.memory_space<vmem>> -> memref<1x32x128xf32, #tpu.memory_space<vmem>>
      %dma_wait3A_454 = tpu.memref_squeeze %dma_wait3A_453 : memref<1x32x128xf32, #tpu.memory_space<vmem>> -> memref<32x128xf32, #tpu.memory_space<vmem>>
      %dma_wait3A_455 = arith.constant 0 : i32
      %dma_wait3A_456 = arith.constant 0 : i32
      %dma_wait3A_457 = tpu.memref_slice %arg5[%dma_wait3A_455, %dma_wait3A_456] : memref<32x1000000xf32, #tpu.memory_space<hbm>> -> memref<32x128xf32, #tpu.memory_space<hbm>>
      tpu.wait_dma2 semaphore(%arg12 : memref<!tpu.dma_semaphore, #tpu.memory_space<semaphore_mem>>) src(%dma_wait3A_457 : memref<32x128xf32, #tpu.memory_space<hbm>>) dst(%dma_wait3A_454 : memref<32x128xf32, #tpu.memory_space<vmem>>)
      %dma_wait3A_458 = arith.constant 4 : i32
      %dma_wait3A_459 = arith.constant 0 : i32
      %dma_wait3A_460 = arith.constant 0 : i32
      %dma_wait3A_461 = tpu.memref_slice %arg9[%dma_wait3A_458, %dma_wait3A_459, %dma_wait3A_460] : memref<8x32x128xf32, #tpu.memory_space<vmem>> -> memref<1x32x128xf32, #tpu.memory_space<vmem>>
      %dma_wait3A_462 = tpu.memref_squeeze %dma_wait3A_461 : memref<1x32x128xf32, #tpu.memory_space<vmem>> -> memref<32x128xf32, #tpu.memory_space<vmem>>
      %dma_wait3A_463 = arith.constant 0 : i32
      %dma_wait3A_464 = arith.constant 0 : i32
      %dma_wait3A_465 = tpu.memref_slice %arg4[%dma_wait3A_463, %dma_wait3A_464] : memref<32x1000000xf32, #tpu.memory_space<hbm>> -> memref<32x128xf32, #tpu.memory_space<hbm>>
      %dma_wait3A_466 = arith.constant 0 : i32
      %dma_wait3A_467 = arith.constant 0 : i32
      %dma_wait3A_468 = tpu.memref_slice %arg9[%dma_wait3A_458, %dma_wait3A_466, %dma_wait3A_467] : memref<8x32x128xf32, #tpu.memory_space<vmem>> -> memref<1x32x128xf32, #tpu.memory_space<vmem>>
      %dma_wait3A_469 = tpu.memref_squeeze %dma_wait3A_468 : memref<1x32x128xf32, #tpu.memory_space<vmem>> -> memref<32x128xf32, #tpu.memory_space<vmem>>
      %dma_wait3A_470 = arith.constant 0 : i32
      %dma_wait3A_471 = arith.constant 0 : i32
      %dma_wait3A_472 = tpu.memref_slice %arg4[%dma_wait3A_470, %dma_wait3A_471] : memref<32x1000000xf32, #tpu.memory_space<hbm>> -> memref<32x128xf32, #tpu.memory_space<hbm>>
      tpu.wait_dma2 semaphore(%arg12 : memref<!tpu.dma_semaphore, #tpu.memory_space<semaphore_mem>>) src(%dma_wait3A_472 : memref<32x128xf32, #tpu.memory_space<hbm>>) dst(%dma_wait3A_469 : memref<32x128xf32, #tpu.memory_space<vmem>>)
      %dma_wait3A_473 = arith.constant 4 : i32
      %dma_wait3A_474 = arith.constant 0 : i32
      %dma_wait3A_475 = arith.constant 0 : i32
      %dma_wait3A_476 = tpu.memref_slice %arg10[%dma_wait3A_473, %dma_wait3A_474, %dma_wait3A_475] : memref<8x32x128xf32, #tpu.memory_space<vmem>> -> memref<1x32x128xf32, #tpu.memory_space<vmem>>
      %dma_wait3A_477 = tpu.memref_squeeze %dma_wait3A_476 : memref<1x32x128xf32, #tpu.memory_space<vmem>> -> memref<32x128xf32, #tpu.memory_space<vmem>>
      %dma_wait3A_478 = arith.constant 0 : i32
      %dma_wait3A_479 = arith.constant 0 : i32
      %dma_wait3A_480 = tpu.memref_slice %arg5[%dma_wait3A_478, %dma_wait3A_479] : memref<32x1000000xf32, #tpu.memory_space<hbm>> -> memref<32x128xf32, #tpu.memory_space<hbm>>
      %dma_wait3A_481 = arith.constant 0 : i32
      %dma_wait3A_482 = arith.constant 0 : i32
      %dma_wait3A_483 = tpu.memref_slice %arg10[%dma_wait3A_473, %dma_wait3A_481, %dma_wait3A_482] : memref<8x32x128xf32, #tpu.memory_space<vmem>> -> memref<1x32x128xf32, #tpu.memory_space<vmem>>
      %dma_wait3A_484 = tpu.memref_squeeze %dma_wait3A_483 : memref<1x32x128xf32, #tpu.memory_space<vmem>> -> memref<32x128xf32, #tpu.memory_space<vmem>>
      %dma_wait3A_485 = arith.constant 0 : i32
      %dma_wait3A_486 = arith.constant 0 : i32
      %dma_wait3A_487 = tpu.memref_slice %arg5[%dma_wait3A_485, %dma_wait3A_486] : memref<32x1000000xf32, #tpu.memory_space<hbm>> -> memref<32x128xf32, #tpu.memory_space<hbm>>
      tpu.wait_dma2 semaphore(%arg12 : memref<!tpu.dma_semaphore, #tpu.memory_space<semaphore_mem>>) src(%dma_wait3A_487 : memref<32x128xf32, #tpu.memory_space<hbm>>) dst(%dma_wait3A_484 : memref<32x128xf32, #tpu.memory_space<vmem>>)
      %dma_wait3A_488 = arith.constant 5 : i32
      %dma_wait3A_489 = arith.constant 0 : i32
      %dma_wait3A_490 = arith.constant 0 : i32
      %dma_wait3A_491 = tpu.memref_slice %arg9[%dma_wait3A_488, %dma_wait3A_489, %dma_wait3A_490] : memref<8x32x128xf32, #tpu.memory_space<vmem>> -> memref<1x32x128xf32, #tpu.memory_space<vmem>>
      %dma_wait3A_492 = tpu.memref_squeeze %dma_wait3A_491 : memref<1x32x128xf32, #tpu.memory_space<vmem>> -> memref<32x128xf32, #tpu.memory_space<vmem>>
      %dma_wait3A_493 = arith.constant 0 : i32
      %dma_wait3A_494 = arith.constant 0 : i32
      %dma_wait3A_495 = tpu.memref_slice %arg4[%dma_wait3A_493, %dma_wait3A_494] : memref<32x1000000xf32, #tpu.memory_space<hbm>> -> memref<32x128xf32, #tpu.memory_space<hbm>>
      %dma_wait3A_496 = arith.constant 0 : i32
      %dma_wait3A_497 = arith.constant 0 : i32
      %dma_wait3A_498 = tpu.memref_slice %arg9[%dma_wait3A_488, %dma_wait3A_496, %dma_wait3A_497] : memref<8x32x128xf32, #tpu.memory_space<vmem>> -> memref<1x32x128xf32, #tpu.memory_space<vmem>>
      %dma_wait3A_499 = tpu.memref_squeeze %dma_wait3A_498 : memref<1x32x128xf32, #tpu.memory_space<vmem>> -> memref<32x128xf32, #tpu.memory_space<vmem>>
      %dma_wait3A_500 = arith.constant 0 : i32
      %dma_wait3A_501 = arith.constant 0 : i32
      %dma_wait3A_502 = tpu.memref_slice %arg4[%dma_wait3A_500, %dma_wait3A_501] : memref<32x1000000xf32, #tpu.memory_space<hbm>> -> memref<32x128xf32, #tpu.memory_space<hbm>>
      tpu.wait_dma2 semaphore(%arg12 : memref<!tpu.dma_semaphore, #tpu.memory_space<semaphore_mem>>) src(%dma_wait3A_502 : memref<32x128xf32, #tpu.memory_space<hbm>>) dst(%dma_wait3A_499 : memref<32x128xf32, #tpu.memory_space<vmem>>)
      %dma_wait3A_503 = arith.constant 5 : i32
      %dma_wait3A_504 = arith.constant 0 : i32
      %dma_wait3A_505 = arith.constant 0 : i32
      %dma_wait3A_506 = tpu.memref_slice %arg10[%dma_wait3A_503, %dma_wait3A_504, %dma_wait3A_505] : memref<8x32x128xf32, #tpu.memory_space<vmem>> -> memref<1x32x128xf32, #tpu.memory_space<vmem>>
      %dma_wait3A_507 = tpu.memref_squeeze %dma_wait3A_506 : memref<1x32x128xf32, #tpu.memory_space<vmem>> -> memref<32x128xf32, #tpu.memory_space<vmem>>
      %dma_wait3A_508 = arith.constant 0 : i32
      %dma_wait3A_509 = arith.constant 0 : i32
      %dma_wait3A_510 = tpu.memref_slice %arg5[%dma_wait3A_508, %dma_wait3A_509] : memref<32x1000000xf32, #tpu.memory_space<hbm>> -> memref<32x128xf32, #tpu.memory_space<hbm>>
      %dma_wait3A_511 = arith.constant 0 : i32
      %dma_wait3A_512 = arith.constant 0 : i32
      %dma_wait3A_513 = tpu.memref_slice %arg10[%dma_wait3A_503, %dma_wait3A_511, %dma_wait3A_512] : memref<8x32x128xf32, #tpu.memory_space<vmem>> -> memref<1x32x128xf32, #tpu.memory_space<vmem>>
      %dma_wait3A_514 = tpu.memref_squeeze %dma_wait3A_513 : memref<1x32x128xf32, #tpu.memory_space<vmem>> -> memref<32x128xf32, #tpu.memory_space<vmem>>
      %dma_wait3A_515 = arith.constant 0 : i32
      %dma_wait3A_516 = arith.constant 0 : i32
      %dma_wait3A_517 = tpu.memref_slice %arg5[%dma_wait3A_515, %dma_wait3A_516] : memref<32x1000000xf32, #tpu.memory_space<hbm>> -> memref<32x128xf32, #tpu.memory_space<hbm>>
      tpu.wait_dma2 semaphore(%arg12 : memref<!tpu.dma_semaphore, #tpu.memory_space<semaphore_mem>>) src(%dma_wait3A_517 : memref<32x128xf32, #tpu.memory_space<hbm>>) dst(%dma_wait3A_514 : memref<32x128xf32, #tpu.memory_space<vmem>>)
      %dma_wait3A_518 = arith.constant 6 : i32
      %dma_wait3A_519 = arith.constant 0 : i32
      %dma_wait3A_520 = arith.constant 0 : i32
      %dma_wait3A_521 = tpu.memref_slice %arg9[%dma_wait3A_518, %dma_wait3A_519, %dma_wait3A_520] : memref<8x32x128xf32, #tpu.memory_space<vmem>> -> memref<1x32x128xf32, #tpu.memory_space<vmem>>
      %dma_wait3A_522 = tpu.memref_squeeze %dma_wait3A_521 : memref<1x32x128xf32, #tpu.memory_space<vmem>> -> memref<32x128xf32, #tpu.memory_space<vmem>>
      %dma_wait3A_523 = arith.constant 0 : i32
      %dma_wait3A_524 = arith.constant 0 : i32
      %dma_wait3A_525 = tpu.memref_slice %arg4[%dma_wait3A_523, %dma_wait3A_524] : memref<32x1000000xf32, #tpu.memory_space<hbm>> -> memref<32x128xf32, #tpu.memory_space<hbm>>
      %dma_wait3A_526 = arith.constant 0 : i32
      %dma_wait3A_527 = arith.constant 0 : i32
      %dma_wait3A_528 = tpu.memref_slice %arg9[%dma_wait3A_518, %dma_wait3A_526, %dma_wait3A_527] : memref<8x32x128xf32, #tpu.memory_space<vmem>> -> memref<1x32x128xf32, #tpu.memory_space<vmem>>
      %dma_wait3A_529 = tpu.memref_squeeze %dma_wait3A_528 : memref<1x32x128xf32, #tpu.memory_space<vmem>> -> memref<32x128xf32, #tpu.memory_space<vmem>>
      %dma_wait3A_530 = arith.constant 0 : i32
      %dma_wait3A_531 = arith.constant 0 : i32
      %dma_wait3A_532 = tpu.memref_slice %arg4[%dma_wait3A_530, %dma_wait3A_531] : memref<32x1000000xf32, #tpu.memory_space<hbm>> -> memref<32x128xf32, #tpu.memory_space<hbm>>
      tpu.wait_dma2 semaphore(%arg12 : memref<!tpu.dma_semaphore, #tpu.memory_space<semaphore_mem>>) src(%dma_wait3A_532 : memref<32x128xf32, #tpu.memory_space<hbm>>) dst(%dma_wait3A_529 : memref<32x128xf32, #tpu.memory_space<vmem>>)
      %dma_wait3A_533 = arith.constant 6 : i32
      %dma_wait3A_534 = arith.constant 0 : i32
      %dma_wait3A_535 = arith.constant 0 : i32
      %dma_wait3A_536 = tpu.memref_slice %arg10[%dma_wait3A_533, %dma_wait3A_534, %dma_wait3A_535] : memref<8x32x128xf32, #tpu.memory_space<vmem>> -> memref<1x32x128xf32, #tpu.memory_space<vmem>>
      %dma_wait3A_537 = tpu.memref_squeeze %dma_wait3A_536 : memref<1x32x128xf32, #tpu.memory_space<vmem>> -> memref<32x128xf32, #tpu.memory_space<vmem>>
      %dma_wait3A_538 = arith.constant 0 : i32
      %dma_wait3A_539 = arith.constant 0 : i32
      %dma_wait3A_540 = tpu.memref_slice %arg5[%dma_wait3A_538, %dma_wait3A_539] : memref<32x1000000xf32, #tpu.memory_space<hbm>> -> memref<32x128xf32, #tpu.memory_space<hbm>>
      %dma_wait3A_541 = arith.constant 0 : i32
      %dma_wait3A_542 = arith.constant 0 : i32
      %dma_wait3A_543 = tpu.memref_slice %arg10[%dma_wait3A_533, %dma_wait3A_541, %dma_wait3A_542] : memref<8x32x128xf32, #tpu.memory_space<vmem>> -> memref<1x32x128xf32, #tpu.memory_space<vmem>>
      %dma_wait3A_544 = tpu.memref_squeeze %dma_wait3A_543 : memref<1x32x128xf32, #tpu.memory_space<vmem>> -> memref<32x128xf32, #tpu.memory_space<vmem>>
      %dma_wait3A_545 = arith.constant 0 : i32
      %dma_wait3A_546 = arith.constant 0 : i32
      %dma_wait3A_547 = tpu.memref_slice %arg5[%dma_wait3A_545, %dma_wait3A_546] : memref<32x1000000xf32, #tpu.memory_space<hbm>> -> memref<32x128xf32, #tpu.memory_space<hbm>>
      tpu.wait_dma2 semaphore(%arg12 : memref<!tpu.dma_semaphore, #tpu.memory_space<semaphore_mem>>) src(%dma_wait3A_547 : memref<32x128xf32, #tpu.memory_space<hbm>>) dst(%dma_wait3A_544 : memref<32x128xf32, #tpu.memory_space<vmem>>)
      %dma_wait3A_548 = arith.constant 7 : i32
      %dma_wait3A_549 = arith.constant 0 : i32
      %dma_wait3A_550 = arith.constant 0 : i32
      %dma_wait3A_551 = tpu.memref_slice %arg9[%dma_wait3A_548, %dma_wait3A_549, %dma_wait3A_550] : memref<8x32x128xf32, #tpu.memory_space<vmem>> -> memref<1x32x128xf32, #tpu.memory_space<vmem>>
      %dma_wait3A_552 = tpu.memref_squeeze %dma_wait3A_551 : memref<1x32x128xf32, #tpu.memory_space<vmem>> -> memref<32x128xf32, #tpu.memory_space<vmem>>
      %dma_wait3A_553 = arith.constant 0 : i32
      %dma_wait3A_554 = arith.constant 0 : i32
      %dma_wait3A_555 = tpu.memref_slice %arg4[%dma_wait3A_553, %dma_wait3A_554] : memref<32x1000000xf32, #tpu.memory_space<hbm>> -> memref<32x128xf32, #tpu.memory_space<hbm>>
      %dma_wait3A_556 = arith.constant 0 : i32
      %dma_wait3A_557 = arith.constant 0 : i32
      %dma_wait3A_558 = tpu.memref_slice %arg9[%dma_wait3A_548, %dma_wait3A_556, %dma_wait3A_557] : memref<8x32x128xf32, #tpu.memory_space<vmem>> -> memref<1x32x128xf32, #tpu.memory_space<vmem>>
      %dma_wait3A_559 = tpu.memref_squeeze %dma_wait3A_558 : memref<1x32x128xf32, #tpu.memory_space<vmem>> -> memref<32x128xf32, #tpu.memory_space<vmem>>
      %dma_wait3A_560 = arith.constant 0 : i32
      %dma_wait3A_561 = arith.constant 0 : i32
      %dma_wait3A_562 = tpu.memref_slice %arg4[%dma_wait3A_560, %dma_wait3A_561] : memref<32x1000000xf32, #tpu.memory_space<hbm>> -> memref<32x128xf32, #tpu.memory_space<hbm>>
      tpu.wait_dma2 semaphore(%arg12 : memref<!tpu.dma_semaphore, #tpu.memory_space<semaphore_mem>>) src(%dma_wait3A_562 : memref<32x128xf32, #tpu.memory_space<hbm>>) dst(%dma_wait3A_559 : memref<32x128xf32, #tpu.memory_space<vmem>>)
      %dma_wait3A_563 = arith.constant 7 : i32
      %dma_wait3A_564 = arith.constant 0 : i32
      %dma_wait3A_565 = arith.constant 0 : i32
      %dma_wait3A_566 = tpu.memref_slice %arg10[%dma_wait3A_563, %dma_wait3A_564, %dma_wait3A_565] : memref<8x32x128xf32, #tpu.memory_space<vmem>> -> memref<1x32x128xf32, #tpu.memory_space<vmem>>
      %dma_wait3A_567 = tpu.memref_squeeze %dma_wait3A_566 : memref<1x32x128xf32, #tpu.memory_space<vmem>> -> memref<32x128xf32, #tpu.memory_space<vmem>>
      %dma_wait3A_568 = arith.constant 0 : i32
      %dma_wait3A_569 = arith.constant 0 : i32
      %dma_wait3A_570 = tpu.memref_slice %arg5[%dma_wait3A_568, %dma_wait3A_569] : memref<32x1000000xf32, #tpu.memory_space<hbm>> -> memref<32x128xf32, #tpu.memory_space<hbm>>
      %dma_wait3A_571 = arith.constant 0 : i32
      %dma_wait3A_572 = arith.constant 0 : i32
      %dma_wait3A_573 = tpu.memref_slice %arg10[%dma_wait3A_563, %dma_wait3A_571, %dma_wait3A_572] : memref<8x32x128xf32, #tpu.memory_space<vmem>> -> memref<1x32x128xf32, #tpu.memory_space<vmem>>
      %dma_wait3A_574 = tpu.memref_squeeze %dma_wait3A_573 : memref<1x32x128xf32, #tpu.memory_space<vmem>> -> memref<32x128xf32, #tpu.memory_space<vmem>>
      %dma_wait3A_575 = arith.constant 0 : i32
      %dma_wait3A_576 = arith.constant 0 : i32
      %dma_wait3A_577 = tpu.memref_slice %arg5[%dma_wait3A_575, %dma_wait3A_576] : memref<32x1000000xf32, #tpu.memory_space<hbm>> -> memref<32x128xf32, #tpu.memory_space<hbm>>
      tpu.wait_dma2 semaphore(%arg12 : memref<!tpu.dma_semaphore, #tpu.memory_space<semaphore_mem>>) src(%dma_wait3A_577 : memref<32x128xf32, #tpu.memory_space<hbm>>) dst(%dma_wait3A_574 : memref<32x128xf32, #tpu.memory_space<vmem>>)
      %shift_right_arithmetic3A_578 = arith.constant 3 : i32
      %shift_right_arithmetic3A_579 = vector.broadcast %shift_right_arithmetic3A_578 : i32 to vector<16xi32>
      %shift_right_arithmetic3A_580 = arith.shrsi %iota3A, %shift_right_arithmetic3A_579 : vector<16xi32>
      %eq3A = arith.constant 0 : i32
      %eq3A_581 = vector.broadcast %eq3A : i32 to vector<16xi32>
      %eq3A_582 = arith.cmpi eq, %shift_right_arithmetic3A_580, %eq3A_581 : vector<16xi32>
      %scan3A_583 = arith.constant 0 : i32
      %scan3A_584 = arith.constant 32 : i32
      %scan3A_585 = arith.addi %scan3A_583, %scan3A_584 : i32
      %scan3A_586 = arith.constant 1 : i32
      %scan3A_587 = scf.for %scan3A_1164 = %scan3A_583 to %scan3A_585 step %scan3A_586 iter_args(%scan3A_1165 = %broadcast_in_dim3A_24) -> (vector<16xf32>)  : i32 {
        %broadcast_in_dim3A_1166 = arith.constant 0 : i32
        %broadcast_in_dim3A_1167 = vector.broadcast %broadcast_in_dim3A_1166 : i32 to vector<16xi32>
        %add3A_1168 = vector.broadcast %scan3A_1164 : i32 to vector<16xi32>
        %add3A_1169 = arith.addi %broadcast_in_dim3A_1167, %add3A_1168 : vector<16xi32>
        %gather3A = tpu.vector_load_idx %arg9[%and3A_4, %add3A_1169, %and3A_20] : memref<8x32x128xf32, #tpu.memory_space<vmem>>[vector<16xi32>, vector<16xi32>, vector<16xi32>], vector<16xf32>,
        %gather3A_1170 = tpu.vector_load_idx %arg10[%and3A_4, %add3A_1169, %and3A_23] : memref<8x32x128xf32, #tpu.memory_space<vmem>>[vector<16xi32>, vector<16xi32>, vector<16xi32>], vector<16xf32>,
        %mul3A_1171 = arith.mulf %gather3A, %gather3A_1170 : vector<16xf32>
        %add3A_1172 = arith.addf %scan3A_1165, %mul3A_1171 : vector<16xf32>
        %select_n3A = arith.select %eq3A_582, %add3A_1172, %scan3A_1165 : vector<16xi1>, vector<16xf32>
        scf.yield %select_n3A : vector<16xf32>
      }
      %scan3A_588 = arith.constant 32 : i32
      %slice3A_589 = vector.extract_strided_slice %get3A_13 {offsets = [8], sizes = [1], strides = [1]} : vector<16xi32> to vector<1xi32>
      %squeeze3A_590 = vector.extract %slice3A_589[0] : i32 from vector<1xi32>
      %shift_right_arithmetic3A_591 = arith.constant 7 : i32
      %shift_right_arithmetic3A_592 = arith.shrsi %squeeze3A_590, %shift_right_arithmetic3A_591 : i32
      %shift_left3A_593 = arith.constant 7 : i32
      %shift_left3A_594 = arith.shli %shift_right_arithmetic3A_592, %shift_left3A_593 : i32
      %multiple_of3A_595 = tpu.assume_multiple %shift_left3A_594, 128 : i32
      %slice3A_596 = vector.extract_strided_slice %get3A_17 {offsets = [8], sizes = [1], strides = [1]} : vector<16xi32> to vector<1xi32>
      %squeeze3A_597 = vector.extract %slice3A_596[0] : i32 from vector<1xi32>
      %shift_right_arithmetic3A_598 = arith.constant 7 : i32
      %shift_right_arithmetic3A_599 = arith.shrsi %squeeze3A_597, %shift_right_arithmetic3A_598 : i32
      %shift_left3A_600 = arith.constant 7 : i32
      %shift_left3A_601 = arith.shli %shift_right_arithmetic3A_599, %shift_left3A_600 : i32
      %multiple_of3A_602 = tpu.assume_multiple %shift_left3A_601, 128 : i32
      %dma_start3A_603 = arith.constant 0 : i32
      %dma_start3A_604 = arith.constant 0 : i32
      %dma_start3A_605 = arith.constant 0 : i32
      %dma_start3A_606 = tpu.memref_slice %arg9[%dma_start3A_603, %dma_start3A_604, %dma_start3A_605] : memref<8x32x128xf32, #tpu.memory_space<vmem>> -> memref<1x32x128xf32, #tpu.memory_space<vmem>>
      %dma_start3A_607 = tpu.memref_squeeze %dma_start3A_606 : memref<1x32x128xf32, #tpu.memory_space<vmem>> -> memref<32x128xf32, #tpu.memory_space<vmem>>
      %dma_start3A_608 = arith.constant 0 : i32
      %dma_start3A_609 = tpu.memref_slice %arg4[%dma_start3A_608, %multiple_of3A_595] : memref<32x1000000xf32, #tpu.memory_space<hbm>> -> memref<32x128xf32, #tpu.memory_space<hbm>>
      %dma_start3A_610 = arith.constant 0 : i32
      %dma_start3A_611 = arith.constant 0 : i32
      %dma_start3A_612 = tpu.memref_slice %arg9[%dma_start3A_603, %dma_start3A_610, %dma_start3A_611] : memref<8x32x128xf32, #tpu.memory_space<vmem>> -> memref<1x32x128xf32, #tpu.memory_space<vmem>>
      %dma_start3A_613 = tpu.memref_squeeze %dma_start3A_612 : memref<1x32x128xf32, #tpu.memory_space<vmem>> -> memref<32x128xf32, #tpu.memory_space<vmem>>
      %dma_start3A_614 = arith.constant 0 : i32
      %dma_start3A_615 = tpu.memref_slice %arg4[%dma_start3A_614, %multiple_of3A_595] : memref<32x1000000xf32, #tpu.memory_space<hbm>> -> memref<32x128xf32, #tpu.memory_space<hbm>>
      tpu.enqueue_dma source(%dma_start3A_615 : memref<32x128xf32, #tpu.memory_space<hbm>>) target(%dma_start3A_613 : memref<32x128xf32, #tpu.memory_space<vmem>>) target_semaphore(%arg12 : memref<!tpu.dma_semaphore, #tpu.memory_space<semaphore_mem>>)
      %dma_start3A_616 = arith.constant 0 : i32
      %dma_start3A_617 = arith.constant 0 : i32
      %dma_start3A_618 = arith.constant 0 : i32
      %dma_start3A_619 = tpu.memref_slice %arg10[%dma_start3A_616, %dma_start3A_617, %dma_start3A_618] : memref<8x32x128xf32, #tpu.memory_space<vmem>> -> memref<1x32x128xf32, #tpu.memory_space<vmem>>
      %dma_start3A_620 = tpu.memref_squeeze %dma_start3A_619 : memref<1x32x128xf32, #tpu.memory_space<vmem>> -> memref<32x128xf32, #tpu.memory_space<vmem>>
      %dma_start3A_621 = arith.constant 0 : i32
      %dma_start3A_622 = tpu.memref_slice %arg5[%dma_start3A_621, %multiple_of3A_602] : memref<32x1000000xf32, #tpu.memory_space<hbm>> -> memref<32x128xf32, #tpu.memory_space<hbm>>
      %dma_start3A_623 = arith.constant 0 : i32
      %dma_start3A_624 = arith.constant 0 : i32
      %dma_start3A_625 = tpu.memref_slice %arg10[%dma_start3A_616, %dma_start3A_623, %dma_start3A_624] : memref<8x32x128xf32, #tpu.memory_space<vmem>> -> memref<1x32x128xf32, #tpu.memory_space<vmem>>
      %dma_start3A_626 = tpu.memref_squeeze %dma_start3A_625 : memref<1x32x128xf32, #tpu.memory_space<vmem>> -> memref<32x128xf32, #tpu.memory_space<vmem>>
      %dma_start3A_627 = arith.constant 0 : i32
      %dma_start3A_628 = tpu.memref_slice %arg5[%dma_start3A_627, %multiple_of3A_602] : memref<32x1000000xf32, #tpu.memory_space<hbm>> -> memref<32x128xf32, #tpu.memory_space<hbm>>
      tpu.enqueue_dma source(%dma_start3A_628 : memref<32x128xf32, #tpu.memory_space<hbm>>) target(%dma_start3A_626 : memref<32x128xf32, #tpu.memory_space<vmem>>) target_semaphore(%arg12 : memref<!tpu.dma_semaphore, #tpu.memory_space<semaphore_mem>>)
      %slice3A_629 = vector.extract_strided_slice %get3A_13 {offsets = [9], sizes = [1], strides = [1]} : vector<16xi32> to vector<1xi32>
      %squeeze3A_630 = vector.extract %slice3A_629[0] : i32 from vector<1xi32>
      %shift_right_arithmetic3A_631 = arith.constant 7 : i32
      %shift_right_arithmetic3A_632 = arith.shrsi %squeeze3A_630, %shift_right_arithmetic3A_631 : i32
      %shift_left3A_633 = arith.constant 7 : i32
      %shift_left3A_634 = arith.shli %shift_right_arithmetic3A_632, %shift_left3A_633 : i32
      %multiple_of3A_635 = tpu.assume_multiple %shift_left3A_634, 128 : i32
      %slice3A_636 = vector.extract_strided_slice %get3A_17 {offsets = [9], sizes = [1], strides = [1]} : vector<16xi32> to vector<1xi32>
      %squeeze3A_637 = vector.extract %slice3A_636[0] : i32 from vector<1xi32>
      %shift_right_arithmetic3A_638 = arith.constant 7 : i32
      %shift_right_arithmetic3A_639 = arith.shrsi %squeeze3A_637, %shift_right_arithmetic3A_638 : i32
      %shift_left3A_640 = arith.constant 7 : i32
      %shift_left3A_641 = arith.shli %shift_right_arithmetic3A_639, %shift_left3A_640 : i32
      %multiple_of3A_642 = tpu.assume_multiple %shift_left3A_641, 128 : i32
      %dma_start3A_643 = arith.constant 1 : i32
      %dma_start3A_644 = arith.constant 0 : i32
      %dma_start3A_645 = arith.constant 0 : i32
      %dma_start3A_646 = tpu.memref_slice %arg9[%dma_start3A_643, %dma_start3A_644, %dma_start3A_645] : memref<8x32x128xf32, #tpu.memory_space<vmem>> -> memref<1x32x128xf32, #tpu.memory_space<vmem>>
      %dma_start3A_647 = tpu.memref_squeeze %dma_start3A_646 : memref<1x32x128xf32, #tpu.memory_space<vmem>> -> memref<32x128xf32, #tpu.memory_space<vmem>>
      %dma_start3A_648 = arith.constant 0 : i32
      %dma_start3A_649 = tpu.memref_slice %arg4[%dma_start3A_648, %multiple_of3A_635] : memref<32x1000000xf32, #tpu.memory_space<hbm>> -> memref<32x128xf32, #tpu.memory_space<hbm>>
      %dma_start3A_650 = arith.constant 0 : i32
      %dma_start3A_651 = arith.constant 0 : i32
      %dma_start3A_652 = tpu.memref_slice %arg9[%dma_start3A_643, %dma_start3A_650, %dma_start3A_651] : memref<8x32x128xf32, #tpu.memory_space<vmem>> -> memref<1x32x128xf32, #tpu.memory_space<vmem>>
      %dma_start3A_653 = tpu.memref_squeeze %dma_start3A_652 : memref<1x32x128xf32, #tpu.memory_space<vmem>> -> memref<32x128xf32, #tpu.memory_space<vmem>>
      %dma_start3A_654 = arith.constant 0 : i32
      %dma_start3A_655 = tpu.memref_slice %arg4[%dma_start3A_654, %multiple_of3A_635] : memref<32x1000000xf32, #tpu.memory_space<hbm>> -> memref<32x128xf32, #tpu.memory_space<hbm>>
      tpu.enqueue_dma source(%dma_start3A_655 : memref<32x128xf32, #tpu.memory_space<hbm>>) target(%dma_start3A_653 : memref<32x128xf32, #tpu.memory_space<vmem>>) target_semaphore(%arg12 : memref<!tpu.dma_semaphore, #tpu.memory_space<semaphore_mem>>)
      %dma_start3A_656 = arith.constant 1 : i32
      %dma_start3A_657 = arith.constant 0 : i32
      %dma_start3A_658 = arith.constant 0 : i32
      %dma_start3A_659 = tpu.memref_slice %arg10[%dma_start3A_656, %dma_start3A_657, %dma_start3A_658] : memref<8x32x128xf32, #tpu.memory_space<vmem>> -> memref<1x32x128xf32, #tpu.memory_space<vmem>>
      %dma_start3A_660 = tpu.memref_squeeze %dma_start3A_659 : memref<1x32x128xf32, #tpu.memory_space<vmem>> -> memref<32x128xf32, #tpu.memory_space<vmem>>
      %dma_start3A_661 = arith.constant 0 : i32
      %dma_start3A_662 = tpu.memref_slice %arg5[%dma_start3A_661, %multiple_of3A_642] : memref<32x1000000xf32, #tpu.memory_space<hbm>> -> memref<32x128xf32, #tpu.memory_space<hbm>>
      %dma_start3A_663 = arith.constant 0 : i32
      %dma_start3A_664 = arith.constant 0 : i32
      %dma_start3A_665 = tpu.memref_slice %arg10[%dma_start3A_656, %dma_start3A_663, %dma_start3A_664] : memref<8x32x128xf32, #tpu.memory_space<vmem>> -> memref<1x32x128xf32, #tpu.memory_space<vmem>>
      %dma_start3A_666 = tpu.memref_squeeze %dma_start3A_665 : memref<1x32x128xf32, #tpu.memory_space<vmem>> -> memref<32x128xf32, #tpu.memory_space<vmem>>
      %dma_start3A_667 = arith.constant 0 : i32
      %dma_start3A_668 = tpu.memref_slice %arg5[%dma_start3A_667, %multiple_of3A_642] : memref<32x1000000xf32, #tpu.memory_space<hbm>> -> memref<32x128xf32, #tpu.memory_space<hbm>>
      tpu.enqueue_dma source(%dma_start3A_668 : memref<32x128xf32, #tpu.memory_space<hbm>>) target(%dma_start3A_666 : memref<32x128xf32, #tpu.memory_space<vmem>>) target_semaphore(%arg12 : memref<!tpu.dma_semaphore, #tpu.memory_space<semaphore_mem>>)
      %slice3A_669 = vector.extract_strided_slice %get3A_13 {offsets = [10], sizes = [1], strides = [1]} : vector<16xi32> to vector<1xi32>
      %squeeze3A_670 = vector.extract %slice3A_669[0] : i32 from vector<1xi32>
      %shift_right_arithmetic3A_671 = arith.constant 7 : i32
      %shift_right_arithmetic3A_672 = arith.shrsi %squeeze3A_670, %shift_right_arithmetic3A_671 : i32
      %shift_left3A_673 = arith.constant 7 : i32
      %shift_left3A_674 = arith.shli %shift_right_arithmetic3A_672, %shift_left3A_673 : i32
      %multiple_of3A_675 = tpu.assume_multiple %shift_left3A_674, 128 : i32
      %slice3A_676 = vector.extract_strided_slice %get3A_17 {offsets = [10], sizes = [1], strides = [1]} : vector<16xi32> to vector<1xi32>
      %squeeze3A_677 = vector.extract %slice3A_676[0] : i32 from vector<1xi32>
      %shift_right_arithmetic3A_678 = arith.constant 7 : i32
      %shift_right_arithmetic3A_679 = arith.shrsi %squeeze3A_677, %shift_right_arithmetic3A_678 : i32
      %shift_left3A_680 = arith.constant 7 : i32
      %shift_left3A_681 = arith.shli %shift_right_arithmetic3A_679, %shift_left3A_680 : i32
      %multiple_of3A_682 = tpu.assume_multiple %shift_left3A_681, 128 : i32
      %dma_start3A_683 = arith.constant 2 : i32
      %dma_start3A_684 = arith.constant 0 : i32
      %dma_start3A_685 = arith.constant 0 : i32
      %dma_start3A_686 = tpu.memref_slice %arg9[%dma_start3A_683, %dma_start3A_684, %dma_start3A_685] : memref<8x32x128xf32, #tpu.memory_space<vmem>> -> memref<1x32x128xf32, #tpu.memory_space<vmem>>
      %dma_start3A_687 = tpu.memref_squeeze %dma_start3A_686 : memref<1x32x128xf32, #tpu.memory_space<vmem>> -> memref<32x128xf32, #tpu.memory_space<vmem>>
      %dma_start3A_688 = arith.constant 0 : i32
      %dma_start3A_689 = tpu.memref_slice %arg4[%dma_start3A_688, %multiple_of3A_675] : memref<32x1000000xf32, #tpu.memory_space<hbm>> -> memref<32x128xf32, #tpu.memory_space<hbm>>
      %dma_start3A_690 = arith.constant 0 : i32
      %dma_start3A_691 = arith.constant 0 : i32
      %dma_start3A_692 = tpu.memref_slice %arg9[%dma_start3A_683, %dma_start3A_690, %dma_start3A_691] : memref<8x32x128xf32, #tpu.memory_space<vmem>> -> memref<1x32x128xf32, #tpu.memory_space<vmem>>
      %dma_start3A_693 = tpu.memref_squeeze %dma_start3A_692 : memref<1x32x128xf32, #tpu.memory_space<vmem>> -> memref<32x128xf32, #tpu.memory_space<vmem>>
      %dma_start3A_694 = arith.constant 0 : i32
      %dma_start3A_695 = tpu.memref_slice %arg4[%dma_start3A_694, %multiple_of3A_675] : memref<32x1000000xf32, #tpu.memory_space<hbm>> -> memref<32x128xf32, #tpu.memory_space<hbm>>
      tpu.enqueue_dma source(%dma_start3A_695 : memref<32x128xf32, #tpu.memory_space<hbm>>) target(%dma_start3A_693 : memref<32x128xf32, #tpu.memory_space<vmem>>) target_semaphore(%arg12 : memref<!tpu.dma_semaphore, #tpu.memory_space<semaphore_mem>>)
      %dma_start3A_696 = arith.constant 2 : i32
      %dma_start3A_697 = arith.constant 0 : i32
      %dma_start3A_698 = arith.constant 0 : i32
      %dma_start3A_699 = tpu.memref_slice %arg10[%dma_start3A_696, %dma_start3A_697, %dma_start3A_698] : memref<8x32x128xf32, #tpu.memory_space<vmem>> -> memref<1x32x128xf32, #tpu.memory_space<vmem>>
      %dma_start3A_700 = tpu.memref_squeeze %dma_start3A_699 : memref<1x32x128xf32, #tpu.memory_space<vmem>> -> memref<32x128xf32, #tpu.memory_space<vmem>>
      %dma_start3A_701 = arith.constant 0 : i32
      %dma_start3A_702 = tpu.memref_slice %arg5[%dma_start3A_701, %multiple_of3A_682] : memref<32x1000000xf32, #tpu.memory_space<hbm>> -> memref<32x128xf32, #tpu.memory_space<hbm>>
      %dma_start3A_703 = arith.constant 0 : i32
      %dma_start3A_704 = arith.constant 0 : i32
      %dma_start3A_705 = tpu.memref_slice %arg10[%dma_start3A_696, %dma_start3A_703, %dma_start3A_704] : memref<8x32x128xf32, #tpu.memory_space<vmem>> -> memref<1x32x128xf32, #tpu.memory_space<vmem>>
      %dma_start3A_706 = tpu.memref_squeeze %dma_start3A_705 : memref<1x32x128xf32, #tpu.memory_space<vmem>> -> memref<32x128xf32, #tpu.memory_space<vmem>>
      %dma_start3A_707 = arith.constant 0 : i32
      %dma_start3A_708 = tpu.memref_slice %arg5[%dma_start3A_707, %multiple_of3A_682] : memref<32x1000000xf32, #tpu.memory_space<hbm>> -> memref<32x128xf32, #tpu.memory_space<hbm>>
      tpu.enqueue_dma source(%dma_start3A_708 : memref<32x128xf32, #tpu.memory_space<hbm>>) target(%dma_start3A_706 : memref<32x128xf32, #tpu.memory_space<vmem>>) target_semaphore(%arg12 : memref<!tpu.dma_semaphore, #tpu.memory_space<semaphore_mem>>)
      %slice3A_709 = vector.extract_strided_slice %get3A_13 {offsets = [11], sizes = [1], strides = [1]} : vector<16xi32> to vector<1xi32>
      %squeeze3A_710 = vector.extract %slice3A_709[0] : i32 from vector<1xi32>
      %shift_right_arithmetic3A_711 = arith.constant 7 : i32
      %shift_right_arithmetic3A_712 = arith.shrsi %squeeze3A_710, %shift_right_arithmetic3A_711 : i32
      %shift_left3A_713 = arith.constant 7 : i32
      %shift_left3A_714 = arith.shli %shift_right_arithmetic3A_712, %shift_left3A_713 : i32
      %multiple_of3A_715 = tpu.assume_multiple %shift_left3A_714, 128 : i32
      %slice3A_716 = vector.extract_strided_slice %get3A_17 {offsets = [11], sizes = [1], strides = [1]} : vector<16xi32> to vector<1xi32>
      %squeeze3A_717 = vector.extract %slice3A_716[0] : i32 from vector<1xi32>
      %shift_right_arithmetic3A_718 = arith.constant 7 : i32
      %shift_right_arithmetic3A_719 = arith.shrsi %squeeze3A_717, %shift_right_arithmetic3A_718 : i32
      %shift_left3A_720 = arith.constant 7 : i32
      %shift_left3A_721 = arith.shli %shift_right_arithmetic3A_719, %shift_left3A_720 : i32
      %multiple_of3A_722 = tpu.assume_multiple %shift_left3A_721, 128 : i32
      %dma_start3A_723 = arith.constant 3 : i32
      %dma_start3A_724 = arith.constant 0 : i32
      %dma_start3A_725 = arith.constant 0 : i32
      %dma_start3A_726 = tpu.memref_slice %arg9[%dma_start3A_723, %dma_start3A_724, %dma_start3A_725] : memref<8x32x128xf32, #tpu.memory_space<vmem>> -> memref<1x32x128xf32, #tpu.memory_space<vmem>>
      %dma_start3A_727 = tpu.memref_squeeze %dma_start3A_726 : memref<1x32x128xf32, #tpu.memory_space<vmem>> -> memref<32x128xf32, #tpu.memory_space<vmem>>
      %dma_start3A_728 = arith.constant 0 : i32
      %dma_start3A_729 = tpu.memref_slice %arg4[%dma_start3A_728, %multiple_of3A_715] : memref<32x1000000xf32, #tpu.memory_space<hbm>> -> memref<32x128xf32, #tpu.memory_space<hbm>>
      %dma_start3A_730 = arith.constant 0 : i32
      %dma_start3A_731 = arith.constant 0 : i32
      %dma_start3A_732 = tpu.memref_slice %arg9[%dma_start3A_723, %dma_start3A_730, %dma_start3A_731] : memref<8x32x128xf32, #tpu.memory_space<vmem>> -> memref<1x32x128xf32, #tpu.memory_space<vmem>>
      %dma_start3A_733 = tpu.memref_squeeze %dma_start3A_732 : memref<1x32x128xf32, #tpu.memory_space<vmem>> -> memref<32x128xf32, #tpu.memory_space<vmem>>
      %dma_start3A_734 = arith.constant 0 : i32
      %dma_start3A_735 = tpu.memref_slice %arg4[%dma_start3A_734, %multiple_of3A_715] : memref<32x1000000xf32, #tpu.memory_space<hbm>> -> memref<32x128xf32, #tpu.memory_space<hbm>>
      tpu.enqueue_dma source(%dma_start3A_735 : memref<32x128xf32, #tpu.memory_space<hbm>>) target(%dma_start3A_733 : memref<32x128xf32, #tpu.memory_space<vmem>>) target_semaphore(%arg12 : memref<!tpu.dma_semaphore, #tpu.memory_space<semaphore_mem>>)
      %dma_start3A_736 = arith.constant 3 : i32
      %dma_start3A_737 = arith.constant 0 : i32
      %dma_start3A_738 = arith.constant 0 : i32
      %dma_start3A_739 = tpu.memref_slice %arg10[%dma_start3A_736, %dma_start3A_737, %dma_start3A_738] : memref<8x32x128xf32, #tpu.memory_space<vmem>> -> memref<1x32x128xf32, #tpu.memory_space<vmem>>
      %dma_start3A_740 = tpu.memref_squeeze %dma_start3A_739 : memref<1x32x128xf32, #tpu.memory_space<vmem>> -> memref<32x128xf32, #tpu.memory_space<vmem>>
      %dma_start3A_741 = arith.constant 0 : i32
      %dma_start3A_742 = tpu.memref_slice %arg5[%dma_start3A_741, %multiple_of3A_722] : memref<32x1000000xf32, #tpu.memory_space<hbm>> -> memref<32x128xf32, #tpu.memory_space<hbm>>
      %dma_start3A_743 = arith.constant 0 : i32
      %dma_start3A_744 = arith.constant 0 : i32
      %dma_start3A_745 = tpu.memref_slice %arg10[%dma_start3A_736, %dma_start3A_743, %dma_start3A_744] : memref<8x32x128xf32, #tpu.memory_space<vmem>> -> memref<1x32x128xf32, #tpu.memory_space<vmem>>
      %dma_start3A_746 = tpu.memref_squeeze %dma_start3A_745 : memref<1x32x128xf32, #tpu.memory_space<vmem>> -> memref<32x128xf32, #tpu.memory_space<vmem>>
      %dma_start3A_747 = arith.constant 0 : i32
      %dma_start3A_748 = tpu.memref_slice %arg5[%dma_start3A_747, %multiple_of3A_722] : memref<32x1000000xf32, #tpu.memory_space<hbm>> -> memref<32x128xf32, #tpu.memory_space<hbm>>
      tpu.enqueue_dma source(%dma_start3A_748 : memref<32x128xf32, #tpu.memory_space<hbm>>) target(%dma_start3A_746 : memref<32x128xf32, #tpu.memory_space<vmem>>) target_semaphore(%arg12 : memref<!tpu.dma_semaphore, #tpu.memory_space<semaphore_mem>>)
      %slice3A_749 = vector.extract_strided_slice %get3A_13 {offsets = [12], sizes = [1], strides = [1]} : vector<16xi32> to vector<1xi32>
      %squeeze3A_750 = vector.extract %slice3A_749[0] : i32 from vector<1xi32>
      %shift_right_arithmetic3A_751 = arith.constant 7 : i32
      %shift_right_arithmetic3A_752 = arith.shrsi %squeeze3A_750, %shift_right_arithmetic3A_751 : i32
      %shift_left3A_753 = arith.constant 7 : i32
      %shift_left3A_754 = arith.shli %shift_right_arithmetic3A_752, %shift_left3A_753 : i32
      %multiple_of3A_755 = tpu.assume_multiple %shift_left3A_754, 128 : i32
      %slice3A_756 = vector.extract_strided_slice %get3A_17 {offsets = [12], sizes = [1], strides = [1]} : vector<16xi32> to vector<1xi32>
      %squeeze3A_757 = vector.extract %slice3A_756[0] : i32 from vector<1xi32>
      %shift_right_arithmetic3A_758 = arith.constant 7 : i32
      %shift_right_arithmetic3A_759 = arith.shrsi %squeeze3A_757, %shift_right_arithmetic3A_758 : i32
      %shift_left3A_760 = arith.constant 7 : i32
      %shift_left3A_761 = arith.shli %shift_right_arithmetic3A_759, %shift_left3A_760 : i32
      %multiple_of3A_762 = tpu.assume_multiple %shift_left3A_761, 128 : i32
      %dma_start3A_763 = arith.constant 4 : i32
      %dma_start3A_764 = arith.constant 0 : i32
      %dma_start3A_765 = arith.constant 0 : i32
      %dma_start3A_766 = tpu.memref_slice %arg9[%dma_start3A_763, %dma_start3A_764, %dma_start3A_765] : memref<8x32x128xf32, #tpu.memory_space<vmem>> -> memref<1x32x128xf32, #tpu.memory_space<vmem>>
      %dma_start3A_767 = tpu.memref_squeeze %dma_start3A_766 : memref<1x32x128xf32, #tpu.memory_space<vmem>> -> memref<32x128xf32, #tpu.memory_space<vmem>>
      %dma_start3A_768 = arith.constant 0 : i32
      %dma_start3A_769 = tpu.memref_slice %arg4[%dma_start3A_768, %multiple_of3A_755] : memref<32x1000000xf32, #tpu.memory_space<hbm>> -> memref<32x128xf32, #tpu.memory_space<hbm>>
      %dma_start3A_770 = arith.constant 0 : i32
      %dma_start3A_771 = arith.constant 0 : i32
      %dma_start3A_772 = tpu.memref_slice %arg9[%dma_start3A_763, %dma_start3A_770, %dma_start3A_771] : memref<8x32x128xf32, #tpu.memory_space<vmem>> -> memref<1x32x128xf32, #tpu.memory_space<vmem>>
      %dma_start3A_773 = tpu.memref_squeeze %dma_start3A_772 : memref<1x32x128xf32, #tpu.memory_space<vmem>> -> memref<32x128xf32, #tpu.memory_space<vmem>>
      %dma_start3A_774 = arith.constant 0 : i32
      %dma_start3A_775 = tpu.memref_slice %arg4[%dma_start3A_774, %multiple_of3A_755] : memref<32x1000000xf32, #tpu.memory_space<hbm>> -> memref<32x128xf32, #tpu.memory_space<hbm>>
      tpu.enqueue_dma source(%dma_start3A_775 : memref<32x128xf32, #tpu.memory_space<hbm>>) target(%dma_start3A_773 : memref<32x128xf32, #tpu.memory_space<vmem>>) target_semaphore(%arg12 : memref<!tpu.dma_semaphore, #tpu.memory_space<semaphore_mem>>)
      %dma_start3A_776 = arith.constant 4 : i32
      %dma_start3A_777 = arith.constant 0 : i32
      %dma_start3A_778 = arith.constant 0 : i32
      %dma_start3A_779 = tpu.memref_slice %arg10[%dma_start3A_776, %dma_start3A_777, %dma_start3A_778] : memref<8x32x128xf32, #tpu.memory_space<vmem>> -> memref<1x32x128xf32, #tpu.memory_space<vmem>>
      %dma_start3A_780 = tpu.memref_squeeze %dma_start3A_779 : memref<1x32x128xf32, #tpu.memory_space<vmem>> -> memref<32x128xf32, #tpu.memory_space<vmem>>
      %dma_start3A_781 = arith.constant 0 : i32
      %dma_start3A_782 = tpu.memref_slice %arg5[%dma_start3A_781, %multiple_of3A_762] : memref<32x1000000xf32, #tpu.memory_space<hbm>> -> memref<32x128xf32, #tpu.memory_space<hbm>>
      %dma_start3A_783 = arith.constant 0 : i32
      %dma_start3A_784 = arith.constant 0 : i32
      %dma_start3A_785 = tpu.memref_slice %arg10[%dma_start3A_776, %dma_start3A_783, %dma_start3A_784] : memref<8x32x128xf32, #tpu.memory_space<vmem>> -> memref<1x32x128xf32, #tpu.memory_space<vmem>>
      %dma_start3A_786 = tpu.memref_squeeze %dma_start3A_785 : memref<1x32x128xf32, #tpu.memory_space<vmem>> -> memref<32x128xf32, #tpu.memory_space<vmem>>
      %dma_start3A_787 = arith.constant 0 : i32
      %dma_start3A_788 = tpu.memref_slice %arg5[%dma_start3A_787, %multiple_of3A_762] : memref<32x1000000xf32, #tpu.memory_space<hbm>> -> memref<32x128xf32, #tpu.memory_space<hbm>>
      tpu.enqueue_dma source(%dma_start3A_788 : memref<32x128xf32, #tpu.memory_space<hbm>>) target(%dma_start3A_786 : memref<32x128xf32, #tpu.memory_space<vmem>>) target_semaphore(%arg12 : memref<!tpu.dma_semaphore, #tpu.memory_space<semaphore_mem>>)
      %slice3A_789 = vector.extract_strided_slice %get3A_13 {offsets = [13], sizes = [1], strides = [1]} : vector<16xi32> to vector<1xi32>
      %squeeze3A_790 = vector.extract %slice3A_789[0] : i32 from vector<1xi32>
      %shift_right_arithmetic3A_791 = arith.constant 7 : i32
      %shift_right_arithmetic3A_792 = arith.shrsi %squeeze3A_790, %shift_right_arithmetic3A_791 : i32
      %shift_left3A_793 = arith.constant 7 : i32
      %shift_left3A_794 = arith.shli %shift_right_arithmetic3A_792, %shift_left3A_793 : i32
      %multiple_of3A_795 = tpu.assume_multiple %shift_left3A_794, 128 : i32
      %slice3A_796 = vector.extract_strided_slice %get3A_17 {offsets = [13], sizes = [1], strides = [1]} : vector<16xi32> to vector<1xi32>
      %squeeze3A_797 = vector.extract %slice3A_796[0] : i32 from vector<1xi32>
      %shift_right_arithmetic3A_798 = arith.constant 7 : i32
      %shift_right_arithmetic3A_799 = arith.shrsi %squeeze3A_797, %shift_right_arithmetic3A_798 : i32
      %shift_left3A_800 = arith.constant 7 : i32
      %shift_left3A_801 = arith.shli %shift_right_arithmetic3A_799, %shift_left3A_800 : i32
      %multiple_of3A_802 = tpu.assume_multiple %shift_left3A_801, 128 : i32
      %dma_start3A_803 = arith.constant 5 : i32
      %dma_start3A_804 = arith.constant 0 : i32
      %dma_start3A_805 = arith.constant 0 : i32
      %dma_start3A_806 = tpu.memref_slice %arg9[%dma_start3A_803, %dma_start3A_804, %dma_start3A_805] : memref<8x32x128xf32, #tpu.memory_space<vmem>> -> memref<1x32x128xf32, #tpu.memory_space<vmem>>
      %dma_start3A_807 = tpu.memref_squeeze %dma_start3A_806 : memref<1x32x128xf32, #tpu.memory_space<vmem>> -> memref<32x128xf32, #tpu.memory_space<vmem>>
      %dma_start3A_808 = arith.constant 0 : i32
      %dma_start3A_809 = tpu.memref_slice %arg4[%dma_start3A_808, %multiple_of3A_795] : memref<32x1000000xf32, #tpu.memory_space<hbm>> -> memref<32x128xf32, #tpu.memory_space<hbm>>
      %dma_start3A_810 = arith.constant 0 : i32
      %dma_start3A_811 = arith.constant 0 : i32
      %dma_start3A_812 = tpu.memref_slice %arg9[%dma_start3A_803, %dma_start3A_810, %dma_start3A_811] : memref<8x32x128xf32, #tpu.memory_space<vmem>> -> memref<1x32x128xf32, #tpu.memory_space<vmem>>
      %dma_start3A_813 = tpu.memref_squeeze %dma_start3A_812 : memref<1x32x128xf32, #tpu.memory_space<vmem>> -> memref<32x128xf32, #tpu.memory_space<vmem>>
      %dma_start3A_814 = arith.constant 0 : i32
      %dma_start3A_815 = tpu.memref_slice %arg4[%dma_start3A_814, %multiple_of3A_795] : memref<32x1000000xf32, #tpu.memory_space<hbm>> -> memref<32x128xf32, #tpu.memory_space<hbm>>
      tpu.enqueue_dma source(%dma_start3A_815 : memref<32x128xf32, #tpu.memory_space<hbm>>) target(%dma_start3A_813 : memref<32x128xf32, #tpu.memory_space<vmem>>) target_semaphore(%arg12 : memref<!tpu.dma_semaphore, #tpu.memory_space<semaphore_mem>>)
      %dma_start3A_816 = arith.constant 5 : i32
      %dma_start3A_817 = arith.constant 0 : i32
      %dma_start3A_818 = arith.constant 0 : i32
      %dma_start3A_819 = tpu.memref_slice %arg10[%dma_start3A_816, %dma_start3A_817, %dma_start3A_818] : memref<8x32x128xf32, #tpu.memory_space<vmem>> -> memref<1x32x128xf32, #tpu.memory_space<vmem>>
      %dma_start3A_820 = tpu.memref_squeeze %dma_start3A_819 : memref<1x32x128xf32, #tpu.memory_space<vmem>> -> memref<32x128xf32, #tpu.memory_space<vmem>>
      %dma_start3A_821 = arith.constant 0 : i32
      %dma_start3A_822 = tpu.memref_slice %arg5[%dma_start3A_821, %multiple_of3A_802] : memref<32x1000000xf32, #tpu.memory_space<hbm>> -> memref<32x128xf32, #tpu.memory_space<hbm>>
      %dma_start3A_823 = arith.constant 0 : i32
      %dma_start3A_824 = arith.constant 0 : i32
      %dma_start3A_825 = tpu.memref_slice %arg10[%dma_start3A_816, %dma_start3A_823, %dma_start3A_824] : memref<8x32x128xf32, #tpu.memory_space<vmem>> -> memref<1x32x128xf32, #tpu.memory_space<vmem>>
      %dma_start3A_826 = tpu.memref_squeeze %dma_start3A_825 : memref<1x32x128xf32, #tpu.memory_space<vmem>> -> memref<32x128xf32, #tpu.memory_space<vmem>>
      %dma_start3A_827 = arith.constant 0 : i32
      %dma_start3A_828 = tpu.memref_slice %arg5[%dma_start3A_827, %multiple_of3A_802] : memref<32x1000000xf32, #tpu.memory_space<hbm>> -> memref<32x128xf32, #tpu.memory_space<hbm>>
      tpu.enqueue_dma source(%dma_start3A_828 : memref<32x128xf32, #tpu.memory_space<hbm>>) target(%dma_start3A_826 : memref<32x128xf32, #tpu.memory_space<vmem>>) target_semaphore(%arg12 : memref<!tpu.dma_semaphore, #tpu.memory_space<semaphore_mem>>)
      %slice3A_829 = vector.extract_strided_slice %get3A_13 {offsets = [14], sizes = [1], strides = [1]} : vector<16xi32> to vector<1xi32>
      %squeeze3A_830 = vector.extract %slice3A_829[0] : i32 from vector<1xi32>
      %shift_right_arithmetic3A_831 = arith.constant 7 : i32
      %shift_right_arithmetic3A_832 = arith.shrsi %squeeze3A_830, %shift_right_arithmetic3A_831 : i32
      %shift_left3A_833 = arith.constant 7 : i32
      %shift_left3A_834 = arith.shli %shift_right_arithmetic3A_832, %shift_left3A_833 : i32
      %multiple_of3A_835 = tpu.assume_multiple %shift_left3A_834, 128 : i32
      %slice3A_836 = vector.extract_strided_slice %get3A_17 {offsets = [14], sizes = [1], strides = [1]} : vector<16xi32> to vector<1xi32>
      %squeeze3A_837 = vector.extract %slice3A_836[0] : i32 from vector<1xi32>
      %shift_right_arithmetic3A_838 = arith.constant 7 : i32
      %shift_right_arithmetic3A_839 = arith.shrsi %squeeze3A_837, %shift_right_arithmetic3A_838 : i32
      %shift_left3A_840 = arith.constant 7 : i32
      %shift_left3A_841 = arith.shli %shift_right_arithmetic3A_839, %shift_left3A_840 : i32
      %multiple_of3A_842 = tpu.assume_multiple %shift_left3A_841, 128 : i32
      %dma_start3A_843 = arith.constant 6 : i32
      %dma_start3A_844 = arith.constant 0 : i32
      %dma_start3A_845 = arith.constant 0 : i32
      %dma_start3A_846 = tpu.memref_slice %arg9[%dma_start3A_843, %dma_start3A_844, %dma_start3A_845] : memref<8x32x128xf32, #tpu.memory_space<vmem>> -> memref<1x32x128xf32, #tpu.memory_space<vmem>>
      %dma_start3A_847 = tpu.memref_squeeze %dma_start3A_846 : memref<1x32x128xf32, #tpu.memory_space<vmem>> -> memref<32x128xf32, #tpu.memory_space<vmem>>
      %dma_start3A_848 = arith.constant 0 : i32
      %dma_start3A_849 = tpu.memref_slice %arg4[%dma_start3A_848, %multiple_of3A_835] : memref<32x1000000xf32, #tpu.memory_space<hbm>> -> memref<32x128xf32, #tpu.memory_space<hbm>>
      %dma_start3A_850 = arith.constant 0 : i32
      %dma_start3A_851 = arith.constant 0 : i32
      %dma_start3A_852 = tpu.memref_slice %arg9[%dma_start3A_843, %dma_start3A_850, %dma_start3A_851] : memref<8x32x128xf32, #tpu.memory_space<vmem>> -> memref<1x32x128xf32, #tpu.memory_space<vmem>>
      %dma_start3A_853 = tpu.memref_squeeze %dma_start3A_852 : memref<1x32x128xf32, #tpu.memory_space<vmem>> -> memref<32x128xf32, #tpu.memory_space<vmem>>
      %dma_start3A_854 = arith.constant 0 : i32
      %dma_start3A_855 = tpu.memref_slice %arg4[%dma_start3A_854, %multiple_of3A_835] : memref<32x1000000xf32, #tpu.memory_space<hbm>> -> memref<32x128xf32, #tpu.memory_space<hbm>>
      tpu.enqueue_dma source(%dma_start3A_855 : memref<32x128xf32, #tpu.memory_space<hbm>>) target(%dma_start3A_853 : memref<32x128xf32, #tpu.memory_space<vmem>>) target_semaphore(%arg12 : memref<!tpu.dma_semaphore, #tpu.memory_space<semaphore_mem>>)
      %dma_start3A_856 = arith.constant 6 : i32
      %dma_start3A_857 = arith.constant 0 : i32
      %dma_start3A_858 = arith.constant 0 : i32
      %dma_start3A_859 = tpu.memref_slice %arg10[%dma_start3A_856, %dma_start3A_857, %dma_start3A_858] : memref<8x32x128xf32, #tpu.memory_space<vmem>> -> memref<1x32x128xf32, #tpu.memory_space<vmem>>
      %dma_start3A_860 = tpu.memref_squeeze %dma_start3A_859 : memref<1x32x128xf32, #tpu.memory_space<vmem>> -> memref<32x128xf32, #tpu.memory_space<vmem>>
      %dma_start3A_861 = arith.constant 0 : i32
      %dma_start3A_862 = tpu.memref_slice %arg5[%dma_start3A_861, %multiple_of3A_842] : memref<32x1000000xf32, #tpu.memory_space<hbm>> -> memref<32x128xf32, #tpu.memory_space<hbm>>
      %dma_start3A_863 = arith.constant 0 : i32
      %dma_start3A_864 = arith.constant 0 : i32
      %dma_start3A_865 = tpu.memref_slice %arg10[%dma_start3A_856, %dma_start3A_863, %dma_start3A_864] : memref<8x32x128xf32, #tpu.memory_space<vmem>> -> memref<1x32x128xf32, #tpu.memory_space<vmem>>
      %dma_start3A_866 = tpu.memref_squeeze %dma_start3A_865 : memref<1x32x128xf32, #tpu.memory_space<vmem>> -> memref<32x128xf32, #tpu.memory_space<vmem>>
      %dma_start3A_867 = arith.constant 0 : i32
      %dma_start3A_868 = tpu.memref_slice %arg5[%dma_start3A_867, %multiple_of3A_842] : memref<32x1000000xf32, #tpu.memory_space<hbm>> -> memref<32x128xf32, #tpu.memory_space<hbm>>
      tpu.enqueue_dma source(%dma_start3A_868 : memref<32x128xf32, #tpu.memory_space<hbm>>) target(%dma_start3A_866 : memref<32x128xf32, #tpu.memory_space<vmem>>) target_semaphore(%arg12 : memref<!tpu.dma_semaphore, #tpu.memory_space<semaphore_mem>>)
      %slice3A_869 = vector.extract_strided_slice %get3A_13 {offsets = [15], sizes = [1], strides = [1]} : vector<16xi32> to vector<1xi32>
      %squeeze3A_870 = vector.extract %slice3A_869[0] : i32 from vector<1xi32>
      %shift_right_arithmetic3A_871 = arith.constant 7 : i32
      %shift_right_arithmetic3A_872 = arith.shrsi %squeeze3A_870, %shift_right_arithmetic3A_871 : i32
      %shift_left3A_873 = arith.constant 7 : i32
      %shift_left3A_874 = arith.shli %shift_right_arithmetic3A_872, %shift_left3A_873 : i32
      %multiple_of3A_875 = tpu.assume_multiple %shift_left3A_874, 128 : i32
      %slice3A_876 = vector.extract_strided_slice %get3A_17 {offsets = [15], sizes = [1], strides = [1]} : vector<16xi32> to vector<1xi32>
      %squeeze3A_877 = vector.extract %slice3A_876[0] : i32 from vector<1xi32>
      %shift_right_arithmetic3A_878 = arith.constant 7 : i32
      %shift_right_arithmetic3A_879 = arith.shrsi %squeeze3A_877, %shift_right_arithmetic3A_878 : i32
      %shift_left3A_880 = arith.constant 7 : i32
      %shift_left3A_881 = arith.shli %shift_right_arithmetic3A_879, %shift_left3A_880 : i32
      %multiple_of3A_882 = tpu.assume_multiple %shift_left3A_881, 128 : i32
      %dma_start3A_883 = arith.constant 7 : i32
      %dma_start3A_884 = arith.constant 0 : i32
      %dma_start3A_885 = arith.constant 0 : i32
      %dma_start3A_886 = tpu.memref_slice %arg9[%dma_start3A_883, %dma_start3A_884, %dma_start3A_885] : memref<8x32x128xf32, #tpu.memory_space<vmem>> -> memref<1x32x128xf32, #tpu.memory_space<vmem>>
      %dma_start3A_887 = tpu.memref_squeeze %dma_start3A_886 : memref<1x32x128xf32, #tpu.memory_space<vmem>> -> memref<32x128xf32, #tpu.memory_space<vmem>>
      %dma_start3A_888 = arith.constant 0 : i32
      %dma_start3A_889 = tpu.memref_slice %arg4[%dma_start3A_888, %multiple_of3A_875] : memref<32x1000000xf32, #tpu.memory_space<hbm>> -> memref<32x128xf32, #tpu.memory_space<hbm>>
      %dma_start3A_890 = arith.constant 0 : i32
      %dma_start3A_891 = arith.constant 0 : i32
      %dma_start3A_892 = tpu.memref_slice %arg9[%dma_start3A_883, %dma_start3A_890, %dma_start3A_891] : memref<8x32x128xf32, #tpu.memory_space<vmem>> -> memref<1x32x128xf32, #tpu.memory_space<vmem>>
      %dma_start3A_893 = tpu.memref_squeeze %dma_start3A_892 : memref<1x32x128xf32, #tpu.memory_space<vmem>> -> memref<32x128xf32, #tpu.memory_space<vmem>>
      %dma_start3A_894 = arith.constant 0 : i32
      %dma_start3A_895 = tpu.memref_slice %arg4[%dma_start3A_894, %multiple_of3A_875] : memref<32x1000000xf32, #tpu.memory_space<hbm>> -> memref<32x128xf32, #tpu.memory_space<hbm>>
      tpu.enqueue_dma source(%dma_start3A_895 : memref<32x128xf32, #tpu.memory_space<hbm>>) target(%dma_start3A_893 : memref<32x128xf32, #tpu.memory_space<vmem>>) target_semaphore(%arg12 : memref<!tpu.dma_semaphore, #tpu.memory_space<semaphore_mem>>)
      %dma_start3A_896 = arith.constant 7 : i32
      %dma_start3A_897 = arith.constant 0 : i32
      %dma_start3A_898 = arith.constant 0 : i32
      %dma_start3A_899 = tpu.memref_slice %arg10[%dma_start3A_896, %dma_start3A_897, %dma_start3A_898] : memref<8x32x128xf32, #tpu.memory_space<vmem>> -> memref<1x32x128xf32, #tpu.memory_space<vmem>>
      %dma_start3A_900 = tpu.memref_squeeze %dma_start3A_899 : memref<1x32x128xf32, #tpu.memory_space<vmem>> -> memref<32x128xf32, #tpu.memory_space<vmem>>
      %dma_start3A_901 = arith.constant 0 : i32
      %dma_start3A_902 = tpu.memref_slice %arg5[%dma_start3A_901, %multiple_of3A_882] : memref<32x1000000xf32, #tpu.memory_space<hbm>> -> memref<32x128xf32, #tpu.memory_space<hbm>>
      %dma_start3A_903 = arith.constant 0 : i32
      %dma_start3A_904 = arith.constant 0 : i32
      %dma_start3A_905 = tpu.memref_slice %arg10[%dma_start3A_896, %dma_start3A_903, %dma_start3A_904] : memref<8x32x128xf32, #tpu.memory_space<vmem>> -> memref<1x32x128xf32, #tpu.memory_space<vmem>>
      %dma_start3A_906 = tpu.memref_squeeze %dma_start3A_905 : memref<1x32x128xf32, #tpu.memory_space<vmem>> -> memref<32x128xf32, #tpu.memory_space<vmem>>
      %dma_start3A_907 = arith.constant 0 : i32
      %dma_start3A_908 = tpu.memref_slice %arg5[%dma_start3A_907, %multiple_of3A_882] : memref<32x1000000xf32, #tpu.memory_space<hbm>> -> memref<32x128xf32, #tpu.memory_space<hbm>>
      tpu.enqueue_dma source(%dma_start3A_908 : memref<32x128xf32, #tpu.memory_space<hbm>>) target(%dma_start3A_906 : memref<32x128xf32, #tpu.memory_space<vmem>>) target_semaphore(%arg12 : memref<!tpu.dma_semaphore, #tpu.memory_space<semaphore_mem>>)
      %dma_wait3A_909 = arith.constant 0 : i32
      %dma_wait3A_910 = arith.constant 0 : i32
      %dma_wait3A_911 = arith.constant 0 : i32
      %dma_wait3A_912 = tpu.memref_slice %arg9[%dma_wait3A_909, %dma_wait3A_910, %dma_wait3A_911] : memref<8x32x128xf32, #tpu.memory_space<vmem>> -> memref<1x32x128xf32, #tpu.memory_space<vmem>>
      %dma_wait3A_913 = tpu.memref_squeeze %dma_wait3A_912 : memref<1x32x128xf32, #tpu.memory_space<vmem>> -> memref<32x128xf32, #tpu.memory_space<vmem>>
      %dma_wait3A_914 = arith.constant 0 : i32
      %dma_wait3A_915 = arith.constant 0 : i32
      %dma_wait3A_916 = tpu.memref_slice %arg4[%dma_wait3A_914, %dma_wait3A_915] : memref<32x1000000xf32, #tpu.memory_space<hbm>> -> memref<32x128xf32, #tpu.memory_space<hbm>>
      %dma_wait3A_917 = arith.constant 0 : i32
      %dma_wait3A_918 = arith.constant 0 : i32
      %dma_wait3A_919 = tpu.memref_slice %arg9[%dma_wait3A_909, %dma_wait3A_917, %dma_wait3A_918] : memref<8x32x128xf32, #tpu.memory_space<vmem>> -> memref<1x32x128xf32, #tpu.memory_space<vmem>>
      %dma_wait3A_920 = tpu.memref_squeeze %dma_wait3A_919 : memref<1x32x128xf32, #tpu.memory_space<vmem>> -> memref<32x128xf32, #tpu.memory_space<vmem>>
      %dma_wait3A_921 = arith.constant 0 : i32
      %dma_wait3A_922 = arith.constant 0 : i32
      %dma_wait3A_923 = tpu.memref_slice %arg4[%dma_wait3A_921, %dma_wait3A_922] : memref<32x1000000xf32, #tpu.memory_space<hbm>> -> memref<32x128xf32, #tpu.memory_space<hbm>>
      tpu.wait_dma2 semaphore(%arg12 : memref<!tpu.dma_semaphore, #tpu.memory_space<semaphore_mem>>) src(%dma_wait3A_923 : memref<32x128xf32, #tpu.memory_space<hbm>>) dst(%dma_wait3A_920 : memref<32x128xf32, #tpu.memory_space<vmem>>)
      %dma_wait3A_924 = arith.constant 0 : i32
      %dma_wait3A_925 = arith.constant 0 : i32
      %dma_wait3A_926 = arith.constant 0 : i32
      %dma_wait3A_927 = tpu.memref_slice %arg10[%dma_wait3A_924, %dma_wait3A_925, %dma_wait3A_926] : memref<8x32x128xf32, #tpu.memory_space<vmem>> -> memref<1x32x128xf32, #tpu.memory_space<vmem>>
      %dma_wait3A_928 = tpu.memref_squeeze %dma_wait3A_927 : memref<1x32x128xf32, #tpu.memory_space<vmem>> -> memref<32x128xf32, #tpu.memory_space<vmem>>
      %dma_wait3A_929 = arith.constant 0 : i32
      %dma_wait3A_930 = arith.constant 0 : i32
      %dma_wait3A_931 = tpu.memref_slice %arg5[%dma_wait3A_929, %dma_wait3A_930] : memref<32x1000000xf32, #tpu.memory_space<hbm>> -> memref<32x128xf32, #tpu.memory_space<hbm>>
      %dma_wait3A_932 = arith.constant 0 : i32
      %dma_wait3A_933 = arith.constant 0 : i32
      %dma_wait3A_934 = tpu.memref_slice %arg10[%dma_wait3A_924, %dma_wait3A_932, %dma_wait3A_933] : memref<8x32x128xf32, #tpu.memory_space<vmem>> -> memref<1x32x128xf32, #tpu.memory_space<vmem>>
      %dma_wait3A_935 = tpu.memref_squeeze %dma_wait3A_934 : memref<1x32x128xf32, #tpu.memory_space<vmem>> -> memref<32x128xf32, #tpu.memory_space<vmem>>
      %dma_wait3A_936 = arith.constant 0 : i32
      %dma_wait3A_937 = arith.constant 0 : i32
      %dma_wait3A_938 = tpu.memref_slice %arg5[%dma_wait3A_936, %dma_wait3A_937] : memref<32x1000000xf32, #tpu.memory_space<hbm>> -> memref<32x128xf32, #tpu.memory_space<hbm>>
      tpu.wait_dma2 semaphore(%arg12 : memref<!tpu.dma_semaphore, #tpu.memory_space<semaphore_mem>>) src(%dma_wait3A_938 : memref<32x128xf32, #tpu.memory_space<hbm>>) dst(%dma_wait3A_935 : memref<32x128xf32, #tpu.memory_space<vmem>>)
      %dma_wait3A_939 = arith.constant 1 : i32
      %dma_wait3A_940 = arith.constant 0 : i32
      %dma_wait3A_941 = arith.constant 0 : i32
      %dma_wait3A_942 = tpu.memref_slice %arg9[%dma_wait3A_939, %dma_wait3A_940, %dma_wait3A_941] : memref<8x32x128xf32, #tpu.memory_space<vmem>> -> memref<1x32x128xf32, #tpu.memory_space<vmem>>
      %dma_wait3A_943 = tpu.memref_squeeze %dma_wait3A_942 : memref<1x32x128xf32, #tpu.memory_space<vmem>> -> memref<32x128xf32, #tpu.memory_space<vmem>>
      %dma_wait3A_944 = arith.constant 0 : i32
      %dma_wait3A_945 = arith.constant 0 : i32
      %dma_wait3A_946 = tpu.memref_slice %arg4[%dma_wait3A_944, %dma_wait3A_945] : memref<32x1000000xf32, #tpu.memory_space<hbm>> -> memref<32x128xf32, #tpu.memory_space<hbm>>
      %dma_wait3A_947 = arith.constant 0 : i32
      %dma_wait3A_948 = arith.constant 0 : i32
      %dma_wait3A_949 = tpu.memref_slice %arg9[%dma_wait3A_939, %dma_wait3A_947, %dma_wait3A_948] : memref<8x32x128xf32, #tpu.memory_space<vmem>> -> memref<1x32x128xf32, #tpu.memory_space<vmem>>
      %dma_wait3A_950 = tpu.memref_squeeze %dma_wait3A_949 : memref<1x32x128xf32, #tpu.memory_space<vmem>> -> memref<32x128xf32, #tpu.memory_space<vmem>>
      %dma_wait3A_951 = arith.constant 0 : i32
      %dma_wait3A_952 = arith.constant 0 : i32
      %dma_wait3A_953 = tpu.memref_slice %arg4[%dma_wait3A_951, %dma_wait3A_952] : memref<32x1000000xf32, #tpu.memory_space<hbm>> -> memref<32x128xf32, #tpu.memory_space<hbm>>
      tpu.wait_dma2 semaphore(%arg12 : memref<!tpu.dma_semaphore, #tpu.memory_space<semaphore_mem>>) src(%dma_wait3A_953 : memref<32x128xf32, #tpu.memory_space<hbm>>) dst(%dma_wait3A_950 : memref<32x128xf32, #tpu.memory_space<vmem>>)
      %dma_wait3A_954 = arith.constant 1 : i32
      %dma_wait3A_955 = arith.constant 0 : i32
      %dma_wait3A_956 = arith.constant 0 : i32
      %dma_wait3A_957 = tpu.memref_slice %arg10[%dma_wait3A_954, %dma_wait3A_955, %dma_wait3A_956] : memref<8x32x128xf32, #tpu.memory_space<vmem>> -> memref<1x32x128xf32, #tpu.memory_space<vmem>>
      %dma_wait3A_958 = tpu.memref_squeeze %dma_wait3A_957 : memref<1x32x128xf32, #tpu.memory_space<vmem>> -> memref<32x128xf32, #tpu.memory_space<vmem>>
      %dma_wait3A_959 = arith.constant 0 : i32
      %dma_wait3A_960 = arith.constant 0 : i32
      %dma_wait3A_961 = tpu.memref_slice %arg5[%dma_wait3A_959, %dma_wait3A_960] : memref<32x1000000xf32, #tpu.memory_space<hbm>> -> memref<32x128xf32, #tpu.memory_space<hbm>>
      %dma_wait3A_962 = arith.constant 0 : i32
      %dma_wait3A_963 = arith.constant 0 : i32
      %dma_wait3A_964 = tpu.memref_slice %arg10[%dma_wait3A_954, %dma_wait3A_962, %dma_wait3A_963] : memref<8x32x128xf32, #tpu.memory_space<vmem>> -> memref<1x32x128xf32, #tpu.memory_space<vmem>>
      %dma_wait3A_965 = tpu.memref_squeeze %dma_wait3A_964 : memref<1x32x128xf32, #tpu.memory_space<vmem>> -> memref<32x128xf32, #tpu.memory_space<vmem>>
      %dma_wait3A_966 = arith.constant 0 : i32
      %dma_wait3A_967 = arith.constant 0 : i32
      %dma_wait3A_968 = tpu.memref_slice %arg5[%dma_wait3A_966, %dma_wait3A_967] : memref<32x1000000xf32, #tpu.memory_space<hbm>> -> memref<32x128xf32, #tpu.memory_space<hbm>>
      tpu.wait_dma2 semaphore(%arg12 : memref<!tpu.dma_semaphore, #tpu.memory_space<semaphore_mem>>) src(%dma_wait3A_968 : memref<32x128xf32, #tpu.memory_space<hbm>>) dst(%dma_wait3A_965 : memref<32x128xf32, #tpu.memory_space<vmem>>)
      %dma_wait3A_969 = arith.constant 2 : i32
      %dma_wait3A_970 = arith.constant 0 : i32
      %dma_wait3A_971 = arith.constant 0 : i32
      %dma_wait3A_972 = tpu.memref_slice %arg9[%dma_wait3A_969, %dma_wait3A_970, %dma_wait3A_971] : memref<8x32x128xf32, #tpu.memory_space<vmem>> -> memref<1x32x128xf32, #tpu.memory_space<vmem>>
      %dma_wait3A_973 = tpu.memref_squeeze %dma_wait3A_972 : memref<1x32x128xf32, #tpu.memory_space<vmem>> -> memref<32x128xf32, #tpu.memory_space<vmem>>
      %dma_wait3A_974 = arith.constant 0 : i32
      %dma_wait3A_975 = arith.constant 0 : i32
      %dma_wait3A_976 = tpu.memref_slice %arg4[%dma_wait3A_974, %dma_wait3A_975] : memref<32x1000000xf32, #tpu.memory_space<hbm>> -> memref<32x128xf32, #tpu.memory_space<hbm>>
      %dma_wait3A_977 = arith.constant 0 : i32
      %dma_wait3A_978 = arith.constant 0 : i32
      %dma_wait3A_979 = tpu.memref_slice %arg9[%dma_wait3A_969, %dma_wait3A_977, %dma_wait3A_978] : memref<8x32x128xf32, #tpu.memory_space<vmem>> -> memref<1x32x128xf32, #tpu.memory_space<vmem>>
      %dma_wait3A_980 = tpu.memref_squeeze %dma_wait3A_979 : memref<1x32x128xf32, #tpu.memory_space<vmem>> -> memref<32x128xf32, #tpu.memory_space<vmem>>
      %dma_wait3A_981 = arith.constant 0 : i32
      %dma_wait3A_982 = arith.constant 0 : i32
      %dma_wait3A_983 = tpu.memref_slice %arg4[%dma_wait3A_981, %dma_wait3A_982] : memref<32x1000000xf32, #tpu.memory_space<hbm>> -> memref<32x128xf32, #tpu.memory_space<hbm>>
      tpu.wait_dma2 semaphore(%arg12 : memref<!tpu.dma_semaphore, #tpu.memory_space<semaphore_mem>>) src(%dma_wait3A_983 : memref<32x128xf32, #tpu.memory_space<hbm>>) dst(%dma_wait3A_980 : memref<32x128xf32, #tpu.memory_space<vmem>>)
      %dma_wait3A_984 = arith.constant 2 : i32
      %dma_wait3A_985 = arith.constant 0 : i32
      %dma_wait3A_986 = arith.constant 0 : i32
      %dma_wait3A_987 = tpu.memref_slice %arg10[%dma_wait3A_984, %dma_wait3A_985, %dma_wait3A_986] : memref<8x32x128xf32, #tpu.memory_space<vmem>> -> memref<1x32x128xf32, #tpu.memory_space<vmem>>
      %dma_wait3A_988 = tpu.memref_squeeze %dma_wait3A_987 : memref<1x32x128xf32, #tpu.memory_space<vmem>> -> memref<32x128xf32, #tpu.memory_space<vmem>>
      %dma_wait3A_989 = arith.constant 0 : i32
      %dma_wait3A_990 = arith.constant 0 : i32
      %dma_wait3A_991 = tpu.memref_slice %arg5[%dma_wait3A_989, %dma_wait3A_990] : memref<32x1000000xf32, #tpu.memory_space<hbm>> -> memref<32x128xf32, #tpu.memory_space<hbm>>
      %dma_wait3A_992 = arith.constant 0 : i32
      %dma_wait3A_993 = arith.constant 0 : i32
      %dma_wait3A_994 = tpu.memref_slice %arg10[%dma_wait3A_984, %dma_wait3A_992, %dma_wait3A_993] : memref<8x32x128xf32, #tpu.memory_space<vmem>> -> memref<1x32x128xf32, #tpu.memory_space<vmem>>
      %dma_wait3A_995 = tpu.memref_squeeze %dma_wait3A_994 : memref<1x32x128xf32, #tpu.memory_space<vmem>> -> memref<32x128xf32, #tpu.memory_space<vmem>>
      %dma_wait3A_996 = arith.constant 0 : i32
      %dma_wait3A_997 = arith.constant 0 : i32
      %dma_wait3A_998 = tpu.memref_slice %arg5[%dma_wait3A_996, %dma_wait3A_997] : memref<32x1000000xf32, #tpu.memory_space<hbm>> -> memref<32x128xf32, #tpu.memory_space<hbm>>
      tpu.wait_dma2 semaphore(%arg12 : memref<!tpu.dma_semaphore, #tpu.memory_space<semaphore_mem>>) src(%dma_wait3A_998 : memref<32x128xf32, #tpu.memory_space<hbm>>) dst(%dma_wait3A_995 : memref<32x128xf32, #tpu.memory_space<vmem>>)
      %dma_wait3A_999 = arith.constant 3 : i32
      %dma_wait3A_1000 = arith.constant 0 : i32
      %dma_wait3A_1001 = arith.constant 0 : i32
      %dma_wait3A_1002 = tpu.memref_slice %arg9[%dma_wait3A_999, %dma_wait3A_1000, %dma_wait3A_1001] : memref<8x32x128xf32, #tpu.memory_space<vmem>> -> memref<1x32x128xf32, #tpu.memory_space<vmem>>
      %dma_wait3A_1003 = tpu.memref_squeeze %dma_wait3A_1002 : memref<1x32x128xf32, #tpu.memory_space<vmem>> -> memref<32x128xf32, #tpu.memory_space<vmem>>
      %dma_wait3A_1004 = arith.constant 0 : i32
      %dma_wait3A_1005 = arith.constant 0 : i32
      %dma_wait3A_1006 = tpu.memref_slice %arg4[%dma_wait3A_1004, %dma_wait3A_1005] : memref<32x1000000xf32, #tpu.memory_space<hbm>> -> memref<32x128xf32, #tpu.memory_space<hbm>>
      %dma_wait3A_1007 = arith.constant 0 : i32
      %dma_wait3A_1008 = arith.constant 0 : i32
      %dma_wait3A_1009 = tpu.memref_slice %arg9[%dma_wait3A_999, %dma_wait3A_1007, %dma_wait3A_1008] : memref<8x32x128xf32, #tpu.memory_space<vmem>> -> memref<1x32x128xf32, #tpu.memory_space<vmem>>
      %dma_wait3A_1010 = tpu.memref_squeeze %dma_wait3A_1009 : memref<1x32x128xf32, #tpu.memory_space<vmem>> -> memref<32x128xf32, #tpu.memory_space<vmem>>
      %dma_wait3A_1011 = arith.constant 0 : i32
      %dma_wait3A_1012 = arith.constant 0 : i32
      %dma_wait3A_1013 = tpu.memref_slice %arg4[%dma_wait3A_1011, %dma_wait3A_1012] : memref<32x1000000xf32, #tpu.memory_space<hbm>> -> memref<32x128xf32, #tpu.memory_space<hbm>>
      tpu.wait_dma2 semaphore(%arg12 : memref<!tpu.dma_semaphore, #tpu.memory_space<semaphore_mem>>) src(%dma_wait3A_1013 : memref<32x128xf32, #tpu.memory_space<hbm>>) dst(%dma_wait3A_1010 : memref<32x128xf32, #tpu.memory_space<vmem>>)
      %dma_wait3A_1014 = arith.constant 3 : i32
      %dma_wait3A_1015 = arith.constant 0 : i32
      %dma_wait3A_1016 = arith.constant 0 : i32
      %dma_wait3A_1017 = tpu.memref_slice %arg10[%dma_wait3A_1014, %dma_wait3A_1015, %dma_wait3A_1016] : memref<8x32x128xf32, #tpu.memory_space<vmem>> -> memref<1x32x128xf32, #tpu.memory_space<vmem>>
      %dma_wait3A_1018 = tpu.memref_squeeze %dma_wait3A_1017 : memref<1x32x128xf32, #tpu.memory_space<vmem>> -> memref<32x128xf32, #tpu.memory_space<vmem>>
      %dma_wait3A_1019 = arith.constant 0 : i32
      %dma_wait3A_1020 = arith.constant 0 : i32
      %dma_wait3A_1021 = tpu.memref_slice %arg5[%dma_wait3A_1019, %dma_wait3A_1020] : memref<32x1000000xf32, #tpu.memory_space<hbm>> -> memref<32x128xf32, #tpu.memory_space<hbm>>
      %dma_wait3A_1022 = arith.constant 0 : i32
      %dma_wait3A_1023 = arith.constant 0 : i32
      %dma_wait3A_1024 = tpu.memref_slice %arg10[%dma_wait3A_1014, %dma_wait3A_1022, %dma_wait3A_1023] : memref<8x32x128xf32, #tpu.memory_space<vmem>> -> memref<1x32x128xf32, #tpu.memory_space<vmem>>
      %dma_wait3A_1025 = tpu.memref_squeeze %dma_wait3A_1024 : memref<1x32x128xf32, #tpu.memory_space<vmem>> -> memref<32x128xf32, #tpu.memory_space<vmem>>
      %dma_wait3A_1026 = arith.constant 0 : i32
      %dma_wait3A_1027 = arith.constant 0 : i32
      %dma_wait3A_1028 = tpu.memref_slice %arg5[%dma_wait3A_1026, %dma_wait3A_1027] : memref<32x1000000xf32, #tpu.memory_space<hbm>> -> memref<32x128xf32, #tpu.memory_space<hbm>>
      tpu.wait_dma2 semaphore(%arg12 : memref<!tpu.dma_semaphore, #tpu.memory_space<semaphore_mem>>) src(%dma_wait3A_1028 : memref<32x128xf32, #tpu.memory_space<hbm>>) dst(%dma_wait3A_1025 : memref<32x128xf32, #tpu.memory_space<vmem>>)
      %dma_wait3A_1029 = arith.constant 4 : i32
      %dma_wait3A_1030 = arith.constant 0 : i32
      %dma_wait3A_1031 = arith.constant 0 : i32
      %dma_wait3A_1032 = tpu.memref_slice %arg9[%dma_wait3A_1029, %dma_wait3A_1030, %dma_wait3A_1031] : memref<8x32x128xf32, #tpu.memory_space<vmem>> -> memref<1x32x128xf32, #tpu.memory_space<vmem>>
      %dma_wait3A_1033 = tpu.memref_squeeze %dma_wait3A_1032 : memref<1x32x128xf32, #tpu.memory_space<vmem>> -> memref<32x128xf32, #tpu.memory_space<vmem>>
      %dma_wait3A_1034 = arith.constant 0 : i32
      %dma_wait3A_1035 = arith.constant 0 : i32
      %dma_wait3A_1036 = tpu.memref_slice %arg4[%dma_wait3A_1034, %dma_wait3A_1035] : memref<32x1000000xf32, #tpu.memory_space<hbm>> -> memref<32x128xf32, #tpu.memory_space<hbm>>
      %dma_wait3A_1037 = arith.constant 0 : i32
      %dma_wait3A_1038 = arith.constant 0 : i32
      %dma_wait3A_1039 = tpu.memref_slice %arg9[%dma_wait3A_1029, %dma_wait3A_1037, %dma_wait3A_1038] : memref<8x32x128xf32, #tpu.memory_space<vmem>> -> memref<1x32x128xf32, #tpu.memory_space<vmem>>
      %dma_wait3A_1040 = tpu.memref_squeeze %dma_wait3A_1039 : memref<1x32x128xf32, #tpu.memory_space<vmem>> -> memref<32x128xf32, #tpu.memory_space<vmem>>
      %dma_wait3A_1041 = arith.constant 0 : i32
      %dma_wait3A_1042 = arith.constant 0 : i32
      %dma_wait3A_1043 = tpu.memref_slice %arg4[%dma_wait3A_1041, %dma_wait3A_1042] : memref<32x1000000xf32, #tpu.memory_space<hbm>> -> memref<32x128xf32, #tpu.memory_space<hbm>>
      tpu.wait_dma2 semaphore(%arg12 : memref<!tpu.dma_semaphore, #tpu.memory_space<semaphore_mem>>) src(%dma_wait3A_1043 : memref<32x128xf32, #tpu.memory_space<hbm>>) dst(%dma_wait3A_1040 : memref<32x128xf32, #tpu.memory_space<vmem>>)
      %dma_wait3A_1044 = arith.constant 4 : i32
      %dma_wait3A_1045 = arith.constant 0 : i32
      %dma_wait3A_1046 = arith.constant 0 : i32
      %dma_wait3A_1047 = tpu.memref_slice %arg10[%dma_wait3A_1044, %dma_wait3A_1045, %dma_wait3A_1046] : memref<8x32x128xf32, #tpu.memory_space<vmem>> -> memref<1x32x128xf32, #tpu.memory_space<vmem>>
      %dma_wait3A_1048 = tpu.memref_squeeze %dma_wait3A_1047 : memref<1x32x128xf32, #tpu.memory_space<vmem>> -> memref<32x128xf32, #tpu.memory_space<vmem>>
      %dma_wait3A_1049 = arith.constant 0 : i32
      %dma_wait3A_1050 = arith.constant 0 : i32
      %dma_wait3A_1051 = tpu.memref_slice %arg5[%dma_wait3A_1049, %dma_wait3A_1050] : memref<32x1000000xf32, #tpu.memory_space<hbm>> -> memref<32x128xf32, #tpu.memory_space<hbm>>
      %dma_wait3A_1052 = arith.constant 0 : i32
      %dma_wait3A_1053 = arith.constant 0 : i32
      %dma_wait3A_1054 = tpu.memref_slice %arg10[%dma_wait3A_1044, %dma_wait3A_1052, %dma_wait3A_1053] : memref<8x32x128xf32, #tpu.memory_space<vmem>> -> memref<1x32x128xf32, #tpu.memory_space<vmem>>
      %dma_wait3A_1055 = tpu.memref_squeeze %dma_wait3A_1054 : memref<1x32x128xf32, #tpu.memory_space<vmem>> -> memref<32x128xf32, #tpu.memory_space<vmem>>
      %dma_wait3A_1056 = arith.constant 0 : i32
      %dma_wait3A_1057 = arith.constant 0 : i32
      %dma_wait3A_1058 = tpu.memref_slice %arg5[%dma_wait3A_1056, %dma_wait3A_1057] : memref<32x1000000xf32, #tpu.memory_space<hbm>> -> memref<32x128xf32, #tpu.memory_space<hbm>>
      tpu.wait_dma2 semaphore(%arg12 : memref<!tpu.dma_semaphore, #tpu.memory_space<semaphore_mem>>) src(%dma_wait3A_1058 : memref<32x128xf32, #tpu.memory_space<hbm>>) dst(%dma_wait3A_1055 : memref<32x128xf32, #tpu.memory_space<vmem>>)
      %dma_wait3A_1059 = arith.constant 5 : i32
      %dma_wait3A_1060 = arith.constant 0 : i32
      %dma_wait3A_1061 = arith.constant 0 : i32
      %dma_wait3A_1062 = tpu.memref_slice %arg9[%dma_wait3A_1059, %dma_wait3A_1060, %dma_wait3A_1061] : memref<8x32x128xf32, #tpu.memory_space<vmem>> -> memref<1x32x128xf32, #tpu.memory_space<vmem>>
      %dma_wait3A_1063 = tpu.memref_squeeze %dma_wait3A_1062 : memref<1x32x128xf32, #tpu.memory_space<vmem>> -> memref<32x128xf32, #tpu.memory_space<vmem>>
      %dma_wait3A_1064 = arith.constant 0 : i32
      %dma_wait3A_1065 = arith.constant 0 : i32
      %dma_wait3A_1066 = tpu.memref_slice %arg4[%dma_wait3A_1064, %dma_wait3A_1065] : memref<32x1000000xf32, #tpu.memory_space<hbm>> -> memref<32x128xf32, #tpu.memory_space<hbm>>
      %dma_wait3A_1067 = arith.constant 0 : i32
      %dma_wait3A_1068 = arith.constant 0 : i32
      %dma_wait3A_1069 = tpu.memref_slice %arg9[%dma_wait3A_1059, %dma_wait3A_1067, %dma_wait3A_1068] : memref<8x32x128xf32, #tpu.memory_space<vmem>> -> memref<1x32x128xf32, #tpu.memory_space<vmem>>
      %dma_wait3A_1070 = tpu.memref_squeeze %dma_wait3A_1069 : memref<1x32x128xf32, #tpu.memory_space<vmem>> -> memref<32x128xf32, #tpu.memory_space<vmem>>
      %dma_wait3A_1071 = arith.constant 0 : i32
      %dma_wait3A_1072 = arith.constant 0 : i32
      %dma_wait3A_1073 = tpu.memref_slice %arg4[%dma_wait3A_1071, %dma_wait3A_1072] : memref<32x1000000xf32, #tpu.memory_space<hbm>> -> memref<32x128xf32, #tpu.memory_space<hbm>>
      tpu.wait_dma2 semaphore(%arg12 : memref<!tpu.dma_semaphore, #tpu.memory_space<semaphore_mem>>) src(%dma_wait3A_1073 : memref<32x128xf32, #tpu.memory_space<hbm>>) dst(%dma_wait3A_1070 : memref<32x128xf32, #tpu.memory_space<vmem>>)
      %dma_wait3A_1074 = arith.constant 5 : i32
      %dma_wait3A_1075 = arith.constant 0 : i32
      %dma_wait3A_1076 = arith.constant 0 : i32
      %dma_wait3A_1077 = tpu.memref_slice %arg10[%dma_wait3A_1074, %dma_wait3A_1075, %dma_wait3A_1076] : memref<8x32x128xf32, #tpu.memory_space<vmem>> -> memref<1x32x128xf32, #tpu.memory_space<vmem>>
      %dma_wait3A_1078 = tpu.memref_squeeze %dma_wait3A_1077 : memref<1x32x128xf32, #tpu.memory_space<vmem>> -> memref<32x128xf32, #tpu.memory_space<vmem>>
      %dma_wait3A_1079 = arith.constant 0 : i32
      %dma_wait3A_1080 = arith.constant 0 : i32
      %dma_wait3A_1081 = tpu.memref_slice %arg5[%dma_wait3A_1079, %dma_wait3A_1080] : memref<32x1000000xf32, #tpu.memory_space<hbm>> -> memref<32x128xf32, #tpu.memory_space<hbm>>
      %dma_wait3A_1082 = arith.constant 0 : i32
      %dma_wait3A_1083 = arith.constant 0 : i32
      %dma_wait3A_1084 = tpu.memref_slice %arg10[%dma_wait3A_1074, %dma_wait3A_1082, %dma_wait3A_1083] : memref<8x32x128xf32, #tpu.memory_space<vmem>> -> memref<1x32x128xf32, #tpu.memory_space<vmem>>
      %dma_wait3A_1085 = tpu.memref_squeeze %dma_wait3A_1084 : memref<1x32x128xf32, #tpu.memory_space<vmem>> -> memref<32x128xf32, #tpu.memory_space<vmem>>
      %dma_wait3A_1086 = arith.constant 0 : i32
      %dma_wait3A_1087 = arith.constant 0 : i32
      %dma_wait3A_1088 = tpu.memref_slice %arg5[%dma_wait3A_1086, %dma_wait3A_1087] : memref<32x1000000xf32, #tpu.memory_space<hbm>> -> memref<32x128xf32, #tpu.memory_space<hbm>>
      tpu.wait_dma2 semaphore(%arg12 : memref<!tpu.dma_semaphore, #tpu.memory_space<semaphore_mem>>) src(%dma_wait3A_1088 : memref<32x128xf32, #tpu.memory_space<hbm>>) dst(%dma_wait3A_1085 : memref<32x128xf32, #tpu.memory_space<vmem>>)
      %dma_wait3A_1089 = arith.constant 6 : i32
      %dma_wait3A_1090 = arith.constant 0 : i32
      %dma_wait3A_1091 = arith.constant 0 : i32
      %dma_wait3A_1092 = tpu.memref_slice %arg9[%dma_wait3A_1089, %dma_wait3A_1090, %dma_wait3A_1091] : memref<8x32x128xf32, #tpu.memory_space<vmem>> -> memref<1x32x128xf32, #tpu.memory_space<vmem>>
      %dma_wait3A_1093 = tpu.memref_squeeze %dma_wait3A_1092 : memref<1x32x128xf32, #tpu.memory_space<vmem>> -> memref<32x128xf32, #tpu.memory_space<vmem>>
      %dma_wait3A_1094 = arith.constant 0 : i32
      %dma_wait3A_1095 = arith.constant 0 : i32
      %dma_wait3A_1096 = tpu.memref_slice %arg4[%dma_wait3A_1094, %dma_wait3A_1095] : memref<32x1000000xf32, #tpu.memory_space<hbm>> -> memref<32x128xf32, #tpu.memory_space<hbm>>
      %dma_wait3A_1097 = arith.constant 0 : i32
      %dma_wait3A_1098 = arith.constant 0 : i32
      %dma_wait3A_1099 = tpu.memref_slice %arg9[%dma_wait3A_1089, %dma_wait3A_1097, %dma_wait3A_1098] : memref<8x32x128xf32, #tpu.memory_space<vmem>> -> memref<1x32x128xf32, #tpu.memory_space<vmem>>
      %dma_wait3A_1100 = tpu.memref_squeeze %dma_wait3A_1099 : memref<1x32x128xf32, #tpu.memory_space<vmem>> -> memref<32x128xf32, #tpu.memory_space<vmem>>
      %dma_wait3A_1101 = arith.constant 0 : i32
      %dma_wait3A_1102 = arith.constant 0 : i32
      %dma_wait3A_1103 = tpu.memref_slice %arg4[%dma_wait3A_1101, %dma_wait3A_1102] : memref<32x1000000xf32, #tpu.memory_space<hbm>> -> memref<32x128xf32, #tpu.memory_space<hbm>>
      tpu.wait_dma2 semaphore(%arg12 : memref<!tpu.dma_semaphore, #tpu.memory_space<semaphore_mem>>) src(%dma_wait3A_1103 : memref<32x128xf32, #tpu.memory_space<hbm>>) dst(%dma_wait3A_1100 : memref<32x128xf32, #tpu.memory_space<vmem>>)
      %dma_wait3A_1104 = arith.constant 6 : i32
      %dma_wait3A_1105 = arith.constant 0 : i32
      %dma_wait3A_1106 = arith.constant 0 : i32
      %dma_wait3A_1107 = tpu.memref_slice %arg10[%dma_wait3A_1104, %dma_wait3A_1105, %dma_wait3A_1106] : memref<8x32x128xf32, #tpu.memory_space<vmem>> -> memref<1x32x128xf32, #tpu.memory_space<vmem>>
      %dma_wait3A_1108 = tpu.memref_squeeze %dma_wait3A_1107 : memref<1x32x128xf32, #tpu.memory_space<vmem>> -> memref<32x128xf32, #tpu.memory_space<vmem>>
      %dma_wait3A_1109 = arith.constant 0 : i32
      %dma_wait3A_1110 = arith.constant 0 : i32
      %dma_wait3A_1111 = tpu.memref_slice %arg5[%dma_wait3A_1109, %dma_wait3A_1110] : memref<32x1000000xf32, #tpu.memory_space<hbm>> -> memref<32x128xf32, #tpu.memory_space<hbm>>
      %dma_wait3A_1112 = arith.constant 0 : i32
      %dma_wait3A_1113 = arith.constant 0 : i32
      %dma_wait3A_1114 = tpu.memref_slice %arg10[%dma_wait3A_1104, %dma_wait3A_1112, %dma_wait3A_1113] : memref<8x32x128xf32, #tpu.memory_space<vmem>> -> memref<1x32x128xf32, #tpu.memory_space<vmem>>
      %dma_wait3A_1115 = tpu.memref_squeeze %dma_wait3A_1114 : memref<1x32x128xf32, #tpu.memory_space<vmem>> -> memref<32x128xf32, #tpu.memory_space<vmem>>
      %dma_wait3A_1116 = arith.constant 0 : i32
      %dma_wait3A_1117 = arith.constant 0 : i32
      %dma_wait3A_1118 = tpu.memref_slice %arg5[%dma_wait3A_1116, %dma_wait3A_1117] : memref<32x1000000xf32, #tpu.memory_space<hbm>> -> memref<32x128xf32, #tpu.memory_space<hbm>>
      tpu.wait_dma2 semaphore(%arg12 : memref<!tpu.dma_semaphore, #tpu.memory_space<semaphore_mem>>) src(%dma_wait3A_1118 : memref<32x128xf32, #tpu.memory_space<hbm>>) dst(%dma_wait3A_1115 : memref<32x128xf32, #tpu.memory_space<vmem>>)
      %dma_wait3A_1119 = arith.constant 7 : i32
      %dma_wait3A_1120 = arith.constant 0 : i32
      %dma_wait3A_1121 = arith.constant 0 : i32
      %dma_wait3A_1122 = tpu.memref_slice %arg9[%dma_wait3A_1119, %dma_wait3A_1120, %dma_wait3A_1121] : memref<8x32x128xf32, #tpu.memory_space<vmem>> -> memref<1x32x128xf32, #tpu.memory_space<vmem>>
      %dma_wait3A_1123 = tpu.memref_squeeze %dma_wait3A_1122 : memref<1x32x128xf32, #tpu.memory_space<vmem>> -> memref<32x128xf32, #tpu.memory_space<vmem>>
      %dma_wait3A_1124 = arith.constant 0 : i32
      %dma_wait3A_1125 = arith.constant 0 : i32
      %dma_wait3A_1126 = tpu.memref_slice %arg4[%dma_wait3A_1124, %dma_wait3A_1125] : memref<32x1000000xf32, #tpu.memory_space<hbm>> -> memref<32x128xf32, #tpu.memory_space<hbm>>
      %dma_wait3A_1127 = arith.constant 0 : i32
      %dma_wait3A_1128 = arith.constant 0 : i32
      %dma_wait3A_1129 = tpu.memref_slice %arg9[%dma_wait3A_1119, %dma_wait3A_1127, %dma_wait3A_1128] : memref<8x32x128xf32, #tpu.memory_space<vmem>> -> memref<1x32x128xf32, #tpu.memory_space<vmem>>
      %dma_wait3A_1130 = tpu.memref_squeeze %dma_wait3A_1129 : memref<1x32x128xf32, #tpu.memory_space<vmem>> -> memref<32x128xf32, #tpu.memory_space<vmem>>
      %dma_wait3A_1131 = arith.constant 0 : i32
      %dma_wait3A_1132 = arith.constant 0 : i32
      %dma_wait3A_1133 = tpu.memref_slice %arg4[%dma_wait3A_1131, %dma_wait3A_1132] : memref<32x1000000xf32, #tpu.memory_space<hbm>> -> memref<32x128xf32, #tpu.memory_space<hbm>>
      tpu.wait_dma2 semaphore(%arg12 : memref<!tpu.dma_semaphore, #tpu.memory_space<semaphore_mem>>) src(%dma_wait3A_1133 : memref<32x128xf32, #tpu.memory_space<hbm>>) dst(%dma_wait3A_1130 : memref<32x128xf32, #tpu.memory_space<vmem>>)
      %dma_wait3A_1134 = arith.constant 7 : i32
      %dma_wait3A_1135 = arith.constant 0 : i32
      %dma_wait3A_1136 = arith.constant 0 : i32
      %dma_wait3A_1137 = tpu.memref_slice %arg10[%dma_wait3A_1134, %dma_wait3A_1135, %dma_wait3A_1136] : memref<8x32x128xf32, #tpu.memory_space<vmem>> -> memref<1x32x128xf32, #tpu.memory_space<vmem>>
      %dma_wait3A_1138 = tpu.memref_squeeze %dma_wait3A_1137 : memref<1x32x128xf32, #tpu.memory_space<vmem>> -> memref<32x128xf32, #tpu.memory_space<vmem>>
      %dma_wait3A_1139 = arith.constant 0 : i32
      %dma_wait3A_1140 = arith.constant 0 : i32
      %dma_wait3A_1141 = tpu.memref_slice %arg5[%dma_wait3A_1139, %dma_wait3A_1140] : memref<32x1000000xf32, #tpu.memory_space<hbm>> -> memref<32x128xf32, #tpu.memory_space<hbm>>
      %dma_wait3A_1142 = arith.constant 0 : i32
      %dma_wait3A_1143 = arith.constant 0 : i32
      %dma_wait3A_1144 = tpu.memref_slice %arg10[%dma_wait3A_1134, %dma_wait3A_1142, %dma_wait3A_1143] : memref<8x32x128xf32, #tpu.memory_space<vmem>> -> memref<1x32x128xf32, #tpu.memory_space<vmem>>
      %dma_wait3A_1145 = tpu.memref_squeeze %dma_wait3A_1144 : memref<1x32x128xf32, #tpu.memory_space<vmem>> -> memref<32x128xf32, #tpu.memory_space<vmem>>
      %dma_wait3A_1146 = arith.constant 0 : i32
      %dma_wait3A_1147 = arith.constant 0 : i32
      %dma_wait3A_1148 = tpu.memref_slice %arg5[%dma_wait3A_1146, %dma_wait3A_1147] : memref<32x1000000xf32, #tpu.memory_space<hbm>> -> memref<32x128xf32, #tpu.memory_space<hbm>>
      tpu.wait_dma2 semaphore(%arg12 : memref<!tpu.dma_semaphore, #tpu.memory_space<semaphore_mem>>) src(%dma_wait3A_1148 : memref<32x128xf32, #tpu.memory_space<hbm>>) dst(%dma_wait3A_1145 : memref<32x128xf32, #tpu.memory_space<vmem>>)
      %shift_right_arithmetic3A_1149 = arith.constant 3 : i32
      %shift_right_arithmetic3A_1150 = vector.broadcast %shift_right_arithmetic3A_1149 : i32 to vector<16xi32>
      %shift_right_arithmetic3A_1151 = arith.shrsi %iota3A, %shift_right_arithmetic3A_1150 : vector<16xi32>
      %eq3A_1152 = arith.constant 1 : i32
      %eq3A_1153 = vector.broadcast %eq3A_1152 : i32 to vector<16xi32>
      %eq3A_1154 = arith.cmpi eq, %shift_right_arithmetic3A_1151, %eq3A_1153 : vector<16xi32>
      %scan3A_1155 = arith.constant 0 : i32
      %scan3A_1156 = arith.constant 32 : i32
      %scan3A_1157 = arith.addi %scan3A_1155, %scan3A_1156 : i32
      %scan3A_1158 = arith.constant 1 : i32
      %scan3A_1159 = scf.for %scan3A_1164 = %scan3A_1155 to %scan3A_1157 step %scan3A_1158 iter_args(%scan3A_1165 = %scan3A_587) -> (vector<16xf32>)  : i32 {
        %broadcast_in_dim3A_1166 = arith.constant 0 : i32
        %broadcast_in_dim3A_1167 = vector.broadcast %broadcast_in_dim3A_1166 : i32 to vector<16xi32>
        %add3A_1168 = vector.broadcast %scan3A_1164 : i32 to vector<16xi32>
        %add3A_1169 = arith.addi %broadcast_in_dim3A_1167, %add3A_1168 : vector<16xi32>
        %gather3A = tpu.vector_load_idx %arg9[%and3A_4, %add3A_1169, %and3A_20] : memref<8x32x128xf32, #tpu.memory_space<vmem>>[vector<16xi32>, vector<16xi32>, vector<16xi32>], vector<16xf32>,
        %gather3A_1170 = tpu.vector_load_idx %arg10[%and3A_4, %add3A_1169, %and3A_23] : memref<8x32x128xf32, #tpu.memory_space<vmem>>[vector<16xi32>, vector<16xi32>, vector<16xi32>], vector<16xf32>,
        %mul3A_1171 = arith.mulf %gather3A, %gather3A_1170 : vector<16xf32>
        %add3A_1172 = arith.addf %scan3A_1165, %mul3A_1171 : vector<16xf32>
        %select_n3A = arith.select %eq3A_1154, %add3A_1172, %scan3A_1165 : vector<16xi1>, vector<16xf32>
        scf.yield %select_n3A : vector<16xf32>
      }
      %scan3A_1160 = arith.constant 32 : i32
      %mul3A_1161 = arith.constant 16 : i32
      %mul3A_1162 = arith.muli %scan3A_10, %mul3A_1161 : i32
      %swap3A = arith.index_cast %mul3A_1162 : i32 to index
      %swap3A_1163 = tpu.vector_load %arg11[%swap3A] {strides = array<i32>} : memref<512xf32, #tpu.memory_space<vmem>>, vector<16xf32>,
      tpu.vector_store %arg11[%swap3A], %scan3A_1159 {strides = array<i32>} : memref<512xf32, #tpu.memory_space<vmem>>, vector<16xf32>,
    }
    %scan3A_9 = arith.constant 32 : i32
    "tpu.region"() ({
      %run_scoped3A = tpu.sem_alloc : memref<!tpu.dma_semaphore, #tpu.memory_space<semaphore_mem>>
      %dma_start3A = tpu.memref_slice %arg6[%mul3A_2] : memref<16384xf32, #tpu.memory_space<hbm>> -> memref<512xf32, #tpu.memory_space<hbm>>
      %dma_start3A_10 = tpu.memref_slice %arg6[%mul3A_2] : memref<16384xf32, #tpu.memory_space<hbm>> -> memref<512xf32, #tpu.memory_space<hbm>>
      tpu.enqueue_dma source(%arg11 : memref<512xf32, #tpu.memory_space<vmem>>) target(%dma_start3A_10 : memref<512xf32, #tpu.memory_space<hbm>>) target_semaphore(%run_scoped3A : memref<!tpu.dma_semaphore, #tpu.memory_space<semaphore_mem>>)
      %dma_wait3A = tpu.memref_slice %arg6[%mul3A_2] : memref<16384xf32, #tpu.memory_space<hbm>> -> memref<512xf32, #tpu.memory_space<hbm>>
      %dma_wait3A_11 = tpu.memref_slice %arg6[%mul3A_2] : memref<16384xf32, #tpu.memory_space<hbm>> -> memref<512xf32, #tpu.memory_space<hbm>>
      tpu.wait_dma2 semaphore(%run_scoped3A : memref<!tpu.dma_semaphore, #tpu.memory_space<semaphore_mem>>) src(%arg11 : memref<512xf32, #tpu.memory_space<vmem>>) dst(%dma_wait3A_11 : memref<512xf32, #tpu.memory_space<hbm>>)
      tpu.yield
    }) : () -> ()
    return
  }
}

</mosaic_0001>

<sc_bundles>
// kernel: kernel.3.cloned.1.call-start
scs
__scs_entry_jumppad:
0x0: {  	(pc) =	sbr.rel $0x88, $3  }
0x1: {  	(tag) =	ssettag $0x0;
	lr =	simm.s32 $0x1  }
0x2: {  	[smem:$0x3F9D] =	sst lr;
	_ =	strace $0xD0000000  }
0x3: {  	_ = 	snop  }
0x4: {  	_ = 	snop  }
0x5: {  	_ = 	snop  }
0x6: {  	_ = 	snop  }
0x7: {  	_ = 	snop  }
__scs_overlays_trampoline_lowered:
0x8: {  	[smem:$0x3FAC] =	sst s0  }
0x9: {  	[smem:$0x3FAD] =	sst s1  }
0xa: {  	[smem:$0x3FAE] =	sst s2  }
0xb: {  	[smem:$0x3FAF] =	sst s3  }
0xc: {  	[smem:$0x3FB0] =	sst s4  }
0xd: {  	[smem:$0x3FB1] =	sst s5  }
0xe: {  	[smem:$0x3FB2] =	sst s6  }
0xf: {  	[smem:$0x3FB3] =	sst s7  }
0x10: {  	[smem:$0x3FB4] =	sst s8  }
0x11: {  	[smem:$0x3FB5] =	sst s9;
	s0 =	simm.s32 @!p0 $0x0  }
0x12: {  	s1 =	sld [smem:$0x3F9B];
	s0 =	simm.s32 @p0 $0x1  }
0x13: {  	[smem:$0x3FB6] =	sst s0;
	s0 =	simm.s32 @!p1 $0x0  }
0x14: {  	s2 =	sld [smem:$0x3F9A];
	s0 =	simm.s32 @p1 $0x1  }
0x15: {  	[smem:$0x3FB7] =	sst s0;
	s0 =	simm.s32 @!p2 $0x0  }
0x16: {  	s3 =	sld [smem:$0x3FDB];
	s0 =	simm.s32 @p2 $0x1  }
0x17: {  	s4 =	simm.s32 $0x1BF5;
	[smem:$0x3FB9] =	sst s0  }
0x18: {  	s0 =	sld [smem:$0x3F9C];
	_ =	swait.ge [sflag:s4], $0x0  }
0x19: {  	s7 =	sld [smem:$0x3F9D]  }
0x1a: {  	s8 =	sadd.s32 $0xFFFFE003, lr  }
0x1b: {  	s9 =	sadd.s32 $0xFFFFFEF7, lr;
	s5 =	simm.s32 $0xFFFFFFFF;
	p2 =	slt.u32 s8, $0xFFFFF086  }
0x1c: {  	p1 =	slt.u32 s9, $0xF7A;
	s5 =	simm.s32 @!p2 $0x0  }
0x1d: {  	s5 =	simm.s32 @p1 $0x1;
	p0 =	seq.s32 s7, s2  }
0x1e: {  	s7 =	smul.u32 @!p0 $0xF7A, s2;
	p2 =	seq.s32 @!p0 s5, $0x0  }
0x1f: {  	s9 =	smul.u32 $0xF7A, s1;
	s8 =	simm.s32 @!p0 $0x1BF5;
	p2 =	por !p2, p0  }
0x20: {  	[sflag:s8] =	ssyncset.s32 @!p0 $0xFFFFF086;
	s6 =	sadd.s32 @!p0 s3, s7;
	s7 =	simm.s32 @!p0 $0x108  }
0x21: {  	s3 =	sadd.s32 s3, s9;
	s6 =	sadd.s32 @!p0 $0x88, s6;
	s7 =	simm.s32 @p2 $0x1082  }
0x22: {  	[simem:s7], [sflag:s8] =	dma.local @!p0 [hbm:s6], $0xF7A  }
0x23: {  	s9 =	sor.u32 $0xD0000000, s2;
	s6 =	simm.s32 $0x108;
	_ =	swait.ge @!p0 [sflag:s8], $0x0  }
0x24: {  	s3 =	sadd.s32 $0x88, s3;
	s6 =	simm.s32 @!p1 $0x1082;
	[sflag:s4] =	ssyncset.s32 $0xFFFFF086  }
0x25: {  	[simem:s6], [sflag:s4] =	dma.local [hbm:s3], $0xF7A  }
0x26: {  	[smem:$0x3F9D] =	sst s1;
	(tag) =	ssettag s2;
	_ =	strace s9  }
0x27: {  	s1 =	sld [smem:$0x3FAD]  }
0x28: {  	s2 =	sld [smem:$0x3FAE]  }
0x29: {  	s4 =	sld [smem:$0x3FB0]  }
0x2a: {  	p0 =	seq.s32 s5, $0x0;
	s5 =	sld [smem:$0x3FB1]  }
0x2b: {  	s6 =	sld [smem:$0x3FB2]  }
0x2c: {  	s7 =	sld [smem:$0x3FB3]  }
0x2d: {  	s3 =	simm.s32 $0x108;
	s8 =	sld [smem:$0x3FB4]  }
0x2e: {  	s3 =	simm.s32 @!p0 $0x1082;
	s9 =	sld [smem:$0x3FB5]  }
0x2f: {  	lr =	sadd.s32 s0, s3;
	s0 =	sld [smem:$0x3FAC]  }
0x30: {  	s3 =	sld [smem:$0x3FAF]  }
0x31: {  	[smem:$0x3FB8] =	sst s10  }
0x32: {  	s10 =	sld [smem:$0x3FB6];
	_ =	sdelay $0x3  }
0x33: {  	p0 =	seq.s32 s10, $0x1;
	s10 =	sld [smem:$0x3FB8];
	_ =	sdelay $0x3  }
0x34: {  	[smem:$0x3FB8] =	sst s10  }
0x35: {  	s10 =	sld [smem:$0x3FB7];
	_ =	sdelay $0x3  }
0x36: {  	p1 =	seq.s32 s10, $0x1;
	s10 =	sld [smem:$0x3FB8];
	_ =	sdelay $0x3  }
0x37: {  	[smem:$0x3FB8] =	sst s10  }
0x38: {  	s10 =	sld [smem:$0x3FB9]  }
0x39: {  	_ = 	snop;
	(pc) =	sbr.ind lr, $3  }
0x3a: {  	_ = 	snop  }
0x3b: {  	_ = 	snop  }
0x3c: {  	p2 =	seq.s32 s10, $0x1;
	s10 =	sld [smem:$0x3FB8]  }
0x3d: {  	_ =	shalt  }
0x3e: {  	_ =	shalt  }
0x3f: {  	_ =	shalt  }
0x40: {  	_ =	shalt  }
0x41: {  	_ =	shalt  }
0x42: {  	_ =	shalt  }
0x43: {  	_ =	shalt  }
0x44: {  	_ =	shalt  }
0x45: {  	_ =	shalt  }
0x46: {  	_ =	shalt  }
0x47: {  	_ =	shalt  }
0x48: {  	_ =	shalt  }
0x49: {  	_ =	shalt  }
0x4a: {  	_ =	shalt  }
0x4b: {  	_ =	shalt  }
0x4c: {  	_ =	shalt  }
0x4d: {  	_ =	shalt  }
0x4e: {  	_ =	shalt  }
0x4f: {  	_ =	shalt  }
0x50: {  	_ =	shalt  }
0x51: {  	_ =	shalt  }
0x52: {  	_ =	shalt  }
0x53: {  	_ =	shalt  }
0x54: {  	_ =	shalt  }
0x55: {  	_ =	shalt  }
0x56: {  	_ =	shalt  }
0x57: {  	_ =	shalt  }
0x58: {  	_ =	shalt  }
0x59: {  	_ =	shalt  }
0x5a: {  	_ =	shalt  }
0x5b: {  	_ =	shalt  }
0x5c: {  	_ =	shalt  }
0x5d: {  	_ =	shalt  }
0x5e: {  	_ =	shalt  }
0x5f: {  	_ =	shalt  }
0x60: {  	_ =	shalt  }
0x61: {  	_ =	shalt  }
0x62: {  	_ =	shalt  }
0x63: {  	_ =	shalt  }
0x64: {  	_ =	shalt  }
0x65: {  	_ =	shalt  }
0x66: {  	_ =	shalt  }
0x67: {  	_ =	shalt  }
0x68: {  	_ =	shalt  }
0x69: {  	_ =	shalt  }
0x6a: {  	_ =	shalt  }
0x6b: {  	_ =	shalt  }
0x6c: {  	_ =	shalt  }
0x6d: {  	_ =	shalt  }
0x6e: {  	_ =	shalt  }
0x6f: {  	_ =	shalt  }
0x70: {  	_ =	shalt  }
0x71: {  	_ =	shalt  }
0x72: {  	_ =	shalt  }
0x73: {  	_ =	shalt  }
0x74: {  	_ =	shalt  }
0x75: {  	_ =	shalt  }
0x76: {  	_ =	shalt  }
0x77: {  	_ =	shalt  }
0x78: {  	_ =	shalt  }
0x79: {  	_ =	shalt  }
0x7a: {  	_ =	shalt  }
0x7b: {  	_ =	shalt  }
0x7c: {  	_ =	shalt  }
0x7d: {  	_ =	shalt  }
0x7e: {  	_ =	shalt  }
0x7f: {  	_ =	shalt  }
0x80: {  	_ =	shalt  }
0x81: {  	_ =	shalt  }
0x82: {  	_ =	shalt  }
0x83: {  	_ =	shalt  }
0x84: {  	_ =	shalt  }
0x85: {  	_ =	shalt  }
0x86: {  	_ =	shalt  }
0x87: {  	_ =	shalt  }
.Lfunc_end0:
.L_simem_size_0:
called_computation_lowered:
.L_overlay_start_0:
0x88: {  	s2 =	sld [smem:$0x3FD9]  }
0x89: {  	s3 =	sld [smem:$0x3FFE];
	_ =	sdelay $0x1  }
0x8a: {  	s1 =	srdreg.scid  }
0x8b: {  	s0 =	sand.u32 $0x1, s1  }
0x8c: {  	s18 =	sshll.u32 s0, $0xA;
	s2 =	sadd.s32 s3, s2  }
0x8d: {  	s2 =	sadd.s32 s2, s18  }
0x8e: {  	[smem:$0x3FC4] =	sst s2  }
0x8f: {  	_ = 	snop  }
0x90: {  	s2 =	sld [smem:$0x3FC9]  }
0x91: {  	s19 =	sld [smem:$0x3FC8]  }
0x92: {  	s4 =	sld [smem:$0x3FC7]  }
0x93: {  	s5 =	sld [smem:$0x3FC6]  }
0x94: {  	s6 =	sld [smem:$0x3FD0];
	(tm) =	ssettm $0x1  }
0x95: {  	s7 =	sld [smem:$0x3FFB];
	_ =	sdelay $0x3  }
0x96: {  	_ =	strace s7  }
0x97: {  	s7 =	sld [smem:$0x3FFC];
	_ =	sdelay $0x3  }
0x98: {  	_ =	strace s7  }
0x99: {  	s7 =	sld [smem:$0x3FFD];
	_ =	sdelay $0x3  }
0x9a: {  	_ =	strace s7  }
0x9b: {  	_ =	strace $0x8FFFFFFF  }
0x9c: {  	s20 =	sld [smem:$0x3FDB];
	_ =	sdelay $0x1  }
0x9d: {  	s8 =	simm.s32 $_scs_section_size  }
0x9e: {  	s9 =	simm.s32 $_size__tile_overlayer_lowered;
	s10 =	simm.s32 $_tile_overlayer_lowered  }
0x9f: {  	s23 =	simm.s32 $0x1BFF;
	s22 =	sshll.u32 s10, $0x1;
	s7 =	sadd.s32 s8, s20  }
0xa0: {  	s11 =	simm.s32 $0x0;
	s21 =	sshll.u32 s9, $0x1;
	s9 =	sadd.s32 s22, s7  }
0xa1: {  	[timem:s11], [sflag:s23] =	dma.local [hbm:s9], s21  }
0xa2: {  	_ =	swait.ge [sflag:s23], s21  }
0xa3: {  	s8 =	ssub.s32 $0x0, s21;
	[sflag:s23] =	ssyncset.done $0x0  }
0xa4: {  	[sflag:s23] =	ssyncadd.s32 s8;
	_ =	sdelay $0x1  }
0xa5: {  	s24 =	simm.s32 $0x1B8B  }
0xa6: {  	_ =	swait.ge [sflag:s24], $0x1  }
0xa7: {  	[sflag:s24] =	ssyncset.done $0x0  }
0xa8: {  	s25 =	simm.s32 $0x1B8E;
	[sflag:s24] =	ssyncadd.s32 $0xFFFFFFFF  }
0xa9: {  	s26 =	simm.s32 $execute0_lowered;
	[smem:$0x3FD2] =	sst s25  }
0xaa: {  	s8 =	sshll.u32 s26, $0x1;
	_ =	strace $0x80000046;
	[dreg:$0x1] =	wrdreg $0xFFFFFFFF  }
0xab: {  	s28 =	simm.s32 $_size_execute0_lowered;
	s7 =	sadd.s32 s7, s8;
	[dreg:$0x0] =	wrdreg $0x0  }
0xac: {  	s8 =	sshll.u32 s28, $0x1;
	[dreg:$0x2] =	wrdreg s7  }
0xad: {  	[dreg:$0x3] =	wrdreg s8  }
0xae: {  	[dreg:$0x4] =	wrdreg $0xC0  }
0xaf: {  	_ =	task [dreg:s11], $0x5FFFF  }
0xb0: {  	[dreg:$0x1] =	wrdreg $0xFFFFFFFF  }
0xb1: {  	[dreg:$0x0] =	wrdreg $0x60  }
0xb2: {  	[dreg:$0x2] =	wrdreg s2  }
0xb3: {  	[dreg:$0x3] =	wrdreg s19  }
0xb4: {  	[dreg:$0x4] =	wrdreg s4  }
0xb5: {  	[dreg:$0x5] =	wrdreg s5  }
0xb6: {  	[dreg:$0x6] =	wrdreg s6  }
0xb7: {  	[dreg:$0x7] =	wrdreg $0x9  }
0xb8: {  	_ =	task.clear_ibuf [dreg:s11], $0x8FFFF;
	_ =	strace $0x90000046  }
0xb9: {  	s29 =	simm.s32 $0x9;
	_ =	strace $0x80000048  }
0xba: {  	_ =	swait.ge [sflag:s29], $0x1  }
0xbb: {  	[sflag:s29] =	ssyncadd.s32 $0xFFFFFFFF  }
0xbc: {  	_ =	strace $0x90000048  }
0xbd: {  	_ =	sfence  }
0xbe: {  	s30 =	sld [smem:$0x0];
	_ =	sdelay $0x2  }
0xbf: {  	s31 =	sshll.u32 s1, $0xD;
	s1 =	sshrl.u32 s1, $0x2  }
0xc0: {  	s3 =	sand.u32 $0x4000, s31;
	s1 =	sadd.s32 s1, s30  }
0xc1: {  	s0 =	sor.u32 s3, s0;
	s1 =	sshll.u32 s1, $0x11  }
0xc2: {  	s0 =	sor.u32 s1, s0  }
0xc3: {  	s0 =	sadd.s32 $0x8F2B, s0  }
0xc4: {  	[sflag:s0] =	ssyncadd.remote.s32 $0x1  }
0xc5: {  	_ =	sfence.sel $0xFFFF  }
0xc6: {  	[dreg:$0x0] =	wrdreg $0xFFFFFFFF;
	(pc) =	sbr.abs _section_cstart, $3  }
0xc7: {  	[dreg:$0x1] =	wrdreg $0xFFFFFFFF  }
0xc8: {  	_ =	task.clear_ibuf [dreg:s11], $0x2FFFF;
	_ =	strace $0x9FFFFFFF  }
0xc9: {  	(tm) =	ssettm $0x7FFFFFFF  }
tec
execute0_lowered:
.L_overlay_start_1:
0x0: {  	(tag) =	ssettag $0x1  }
0x1: {  	s0 =	rddreg [dreg:$0x0]  }
0x2: {  	s3 =	rddreg [dreg:$0x1]  }
0x3: {  	s1 =	rddreg [dreg:$0x2]  }
0x4: {  	s2 =	rddreg [dreg:$0x3]  }
0x5: {  	s7 =	rddreg [dreg:$0x4];
	s5 =	srdreg.scid;
	s4 =	simm.s32 $0x0  }
0x6: {  	s9 =	stileid.u32;
	s11 =	simm.s32 $0x400;
	s12 =	simm.s32 $0x7A1400  }
0x7: {  	s13 =	simm.s32 $0x500;
	s14 =	simm.s32 $0x8500;
	s15 =	simm.s32 $0x1500  }
0x8: {  	s16 =	simm.s32 $0x9500;
	s17 =	simm.s32 $0x2500;
	s18 =	simm.s32 $0xA500  }
0x9: {  	s19 =	simm.s32 $0x3500;
	s20 =	simm.s32 $0xB500;
	s21 =	simm.s32 $0x4500  }
0xa: {  	s22 =	simm.s32 $0xC500;
	s23 =	simm.s32 $0x5500;
	s24 =	simm.s32 $0xD500  }
0xb: {  	s25 =	simm.s32 $0x6500;
	s26 =	simm.s32 $0xE500;
	s28 =	simm.s32 $0x7500  }
0xc: {  	s29 =	simm.s32 $0xF500;
	s30 =	simm.s32 $0x1;
	s5 =	sand.u32 $0x1, s5  }
0xd: {  	s9 =	sshll.u32 s9, $0x7;
	s6 =	ssub.s32 $0x2, s5;
	s5 =	sshll.u32 s5, $0x6  }
0xe: {  	[smem:$0x7FF] =	sst s4;
	s8 =	sshrl.u32 s6, $0x1;
	s9 =	sor.u32 s5, s9  }
0xf: {  	v0 =	vlaneseq.u32;
	_ =	strace $0x80000047;
	s8 =	ssub.s32 s6, s8;
	s0 =	sadd.s32 s0, s9  }
0x10: {  	v0 =	vand.u32 $0x7, v0;
	s6 =	sadd.s32 s3, s9;
	s7 =	sadd.s32 s7, s9;
	s9 =	simm.s32 $0x2  }
0x11: {  	vm0 =	vmmov $0xff;
	v0 =	vmul.u32 $0x1000, v0;
	[dreg:$0x6] =	wrdreg s0;
	s8 =	smax.u32 s8, $0x1;
	s0 =	simm.s32 $0x0  }
.LBB2_1:
0x12: {  	s3 =	rddreg [dreg:$0x6]  }
0x13: {  	[tilespmem:s4], [sflag:$0x2] =	stream.linear.gather [hbm4b:s3+s4], $0x200, $0x38;
	[tilespmem:$0x10700] =	vst v63  }
0x14: {  	_ =	swait.ge [sflag:s9], $0x200  }
0x15: {  	[sflag:s9] =	ssyncset.done $0x0  }
0x16: {  	s31 =	simm.s32 $0x280;
	[sflag:s9] =	ssyncadd.s32 $0xFFFFFE00  }
0x17: {  	[tilespmem:s31], [sflag:$0x2] =	stream.linear.gather [hbm4b:s6+s4], $0x200, $0x38;
	[tilespmem:$0x10700] =	vst v63  }
0x18: {  	_ =	swait.ge [sflag:s9], $0x200  }
0x19: {  	[sflag:s9] =	ssyncset.done $0x0  }
0x1a: {  	s3 =	simm.s32 $0x0;
	[sflag:s9] =	ssyncadd.s32 $0xFFFFFE00  }
.LBB2_2:
0x1b: {  	s10 =	sshll.u32 s3, $0x4  }
0x1c: {  	v2 =	vld [tilespmem:s10+$0x0];
	_ =	sdelay $0x3  }
0x1d: {  	v1 =	vld [tilespmem:s10+$0x280]  }
0x1e: {  	(v2sf) =	vpush v2, $0x0;
	_ =	sdelay $0x3  }
0x1f: {  	(v2sf) =	vpush v1, $0x0;
	_ =	sdelay $0x3  }
0x20: {  	(v2sf) =	vpush v2, $0x1;
	_ =	sdelay $0x3  }
0x21: {  	(v2sf) =	vpush v1, $0x1;
	_ =	sdelay $0x2  }
0x22: {  	s31 =	spop (v2sf)  }
0x23: {  	(v2sf) =	vpush v2, $0x2;
	s31 =	sand.u32 $0xFFFFF80, s31  }
0x24: {  	s31 =	sadd.s32 s1, s31  }
0x25: {  	[tilespmem:s13], [sflag:$0x1] =	stream.strided.gather [hbm4b:s31+s11], $0x1000, s12, s11, $0x38;
	[tilespmem:$0x10700] =	vst v63  }
0x26: {  	s31 =	spop (v2sf)  }
0x27: {  	(v2sf) =	vpush v1, $0x2;
	s31 =	sand.u32 $0xFFFFF80, s31  }
0x28: {  	s31 =	sadd.s32 s2, s31  }
0x29: {  	[tilespmem:s14], [sflag:$0x1] =	stream.strided.gather [hbm4b:s31+s11], $0x1000, s12, s11, $0x38;
	[tilespmem:$0x10700] =	vst v63  }
0x2a: {  	s31 =	spop (v2sf)  }
0x2b: {  	(v2sf) =	vpush v2, $0x3;
	s31 =	sand.u32 $0xFFFFF80, s31  }
0x2c: {  	s31 =	sadd.s32 s1, s31  }
0x2d: {  	[tilespmem:s15], [sflag:$0x1] =	stream.strided.gather [hbm4b:s31+s11], $0x1000, s12, s11, $0x38;
	[tilespmem:$0x10700] =	vst v63  }
0x2e: {  	s31 =	spop (v2sf)  }
0x2f: {  	(v2sf) =	vpush v1, $0x3;
	s31 =	sand.u32 $0xFFFFF80, s31  }
0x30: {  	s31 =	sadd.s32 s2, s31  }
0x31: {  	[tilespmem:s16], [sflag:$0x1] =	stream.strided.gather [hbm4b:s31+s11], $0x1000, s12, s11, $0x38;
	[tilespmem:$0x10700] =	vst v63  }
0x32: {  	s31 =	spop (v2sf)  }
0x33: {  	(v2sf) =	vpush v2, $0x4;
	s31 =	sand.u32 $0xFFFFF80, s31  }
0x34: {  	s31 =	sadd.s32 s1, s31  }
0x35: {  	[tilespmem:s17], [sflag:$0x1] =	stream.strided.gather [hbm4b:s31+s11], $0x1000, s12, s11, $0x38;
	[tilespmem:$0x10700] =	vst v63  }
0x36: {  	s31 =	spop (v2sf)  }
0x37: {  	(v2sf) =	vpush v1, $0x4;
	s31 =	sand.u32 $0xFFFFF80, s31  }
0x38: {  	s31 =	sadd.s32 s2, s31  }
0x39: {  	[tilespmem:s18], [sflag:$0x1] =	stream.strided.gather [hbm4b:s31+s11], $0x1000, s12, s11, $0x38;
	[tilespmem:$0x10700] =	vst v63  }
0x3a: {  	s31 =	spop (v2sf)  }
0x3b: {  	(v2sf) =	vpush v2, $0x5;
	s31 =	sand.u32 $0xFFFFF80, s31  }
0x3c: {  	(v2sf) =	vpush v1, $0x5;
	s31 =	sadd.s32 s1, s31  }
0x3d: {  	[tilespmem:s19], [sflag:$0x1] =	stream.strided.gather [hbm4b:s31+s11], $0x1000, s12, s11, $0x38;
	[tilespmem:$0x10700] =	vst v63  }
0x3e: {  	s31 =	spop (v2sf)  }
0x3f: {  	(v2sf) =	vpush v2, $0x6;
	s31 =	sand.u32 $0xFFFFF80, s31  }
0x40: {  	s31 =	sadd.s32 s2, s31  }
0x41: {  	[tilespmem:s20], [sflag:$0x1] =	stream.strided.gather [hbm4b:s31+s11], $0x1000, s12, s11, $0x38;
	[tilespmem:$0x10700] =	vst v63  }
0x42: {  	s31 =	spop (v2sf)  }
0x43: {  	s31 =	sand.u32 $0xFFFFF80, s31  }
0x44: {  	(v2sf) =	vpush v1, $0x6;
	s31 =	sadd.s32 s1, s31  }
0x45: {  	[tilespmem:s21], [sflag:$0x1] =	stream.strided.gather [hbm4b:s31+s11], $0x1000, s12, s11, $0x38;
	[tilespmem:$0x10700] =	vst v63  }
0x46: {  	s31 =	spop (v2sf);
	(v2sf) =	vpush v2, $0x7  }
0x47: {  	s31 =	sand.u32 $0xFFFFF80, s31  }
0x48: {  	s31 =	sadd.s32 s2, s31  }
0x49: {  	[tilespmem:s22], [sflag:$0x1] =	stream.strided.gather [hbm4b:s31+s11], $0x1000, s12, s11, $0x38;
	[tilespmem:$0x10700] =	vst v63  }
0x4a: {  	s31 =	spop (v2sf)  }
0x4b: {  	(v2sf) =	vpush v1, $0x7;
	s31 =	sand.u32 $0xFFFFF80, s31;
	s5 =	spop (v2sf)  }
0x4c: {  	s31 =	sadd.s32 s1, s31;
	s5 =	sand.u32 $0xFFFFF80, s5  }
0x4d: {  	[tilespmem:s23], [sflag:$0x1] =	stream.strided.gather [hbm4b:s31+s11], $0x1000, s12, s11, $0x38;
	[tilespmem:$0x10700] =	vst v63  }
0x4e: {  	s31 =	spop (v2sf);
	s5 =	sadd.s32 s2, s5  }
0x4f: {  	[tilespmem:s24], [sflag:$0x1] =	stream.strided.gather [hbm4b:s5+s11], $0x1000, s12, s11, $0x38;
	[tilespmem:$0x10700] =	vst v63  }
0x50: {  	s5 =	sand.u32 $0xFFFFF80, s31  }
0x51: {  	s5 =	sadd.s32 s1, s5  }
0x52: {  	[tilespmem:s25], [sflag:$0x1] =	stream.strided.gather [hbm4b:s5+s11], $0x1000, s12, s11, $0x38;
	[tilespmem:$0x10700] =	vst v63  }
0x53: {  	s31 =	spop (v2sf)  }
0x54: {  	s5 =	sand.u32 $0xFFFFF80, s31  }
0x55: {  	s5 =	sadd.s32 s2, s5;
	s31 =	spop (v2sf)  }
0x56: {  	[tilespmem:s26], [sflag:$0x1] =	stream.strided.gather [hbm4b:s5+s11], $0x1000, s12, s11, $0x38;
	[tilespmem:$0x10700] =	vst v63  }
0x57: {  	s5 =	sand.u32 $0xFFFFF80, s31  }
0x58: {  	s5 =	sadd.s32 s1, s5  }
0x59: {  	[tilespmem:s28], [sflag:$0x1] =	stream.strided.gather [hbm4b:s5+s11], $0x1000, s12, s11, $0x38;
	[tilespmem:$0x10700] =	vst v63  }
0x5a: {  	s5 =	spop (v2sf)  }
0x5b: {  	s5 =	sand.u32 $0xFFFFF80, s5  }
0x5c: {  	s5 =	sadd.s32 s2, s5  }
0x5d: {  	[tilespmem:s29], [sflag:$0x1] =	stream.strided.gather [hbm4b:s5+s11], $0x1000, s12, s11, $0x38;
	[tilespmem:$0x10700] =	vst v63  }
0x5e: {  	_ =	swait.ge [sflag:s30], $0x1000  }
0x5f: {  	[sflag:s30] =	ssyncset.done $0x0  }
0x60: {  	[sflag:s30] =	ssyncadd.s32 $0xFFFFF000  }
0x61: {  	_ =	swait.ge [sflag:s30], $0x1000  }
0x62: {  	[sflag:s30] =	ssyncset.done $0x0  }
0x63: {  	[sflag:s30] =	ssyncadd.s32 $0xFFFFF000  }
0x64: {  	_ =	swait.ge [sflag:s30], $0x1000  }
0x65: {  	[sflag:s30] =	ssyncset.done $0x0  }
0x66: {  	[sflag:s30] =	ssyncadd.s32 $0xFFFFF000  }
0x67: {  	_ =	swait.ge [sflag:s30], $0x1000  }
0x68: {  	[sflag:s30] =	ssyncset.done $0x0  }
0x69: {  	[sflag:s30] =	ssyncadd.s32 $0xFFFFF000  }
0x6a: {  	_ =	swait.ge [sflag:s30], $0x1000  }
0x6b: {  	[sflag:s30] =	ssyncset.done $0x0  }
0x6c: {  	[sflag:s30] =	ssyncadd.s32 $0xFFFFF000  }
0x6d: {  	_ =	swait.ge [sflag:s30], $0x1000  }
0x6e: {  	[sflag:s30] =	ssyncset.done $0x0  }
0x6f: {  	[sflag:s30] =	ssyncadd.s32 $0xFFFFF000  }
0x70: {  	_ =	swait.ge [sflag:s30], $0x1000  }
0x71: {  	[sflag:s30] =	ssyncset.done $0x0  }
0x72: {  	[sflag:s30] =	ssyncadd.s32 $0xFFFFF000  }
0x73: {  	_ =	swait.ge [sflag:s30], $0x1000  }
0x74: {  	[sflag:s30] =	ssyncset.done $0x0  }
0x75: {  	[sflag:s30] =	ssyncadd.s32 $0xFFFFF000  }
0x76: {  	_ =	swait.ge [sflag:s30], $0x1000  }
0x77: {  	[sflag:s30] =	ssyncset.done $0x0  }
0x78: {  	[sflag:s30] =	ssyncadd.s32 $0xFFFFF000  }
0x79: {  	_ =	swait.ge [sflag:s30], $0x1000  }
0x7a: {  	[sflag:s30] =	ssyncset.done $0x0  }
0x7b: {  	[sflag:s30] =	ssyncadd.s32 $0xFFFFF000  }
0x7c: {  	_ =	swait.ge [sflag:s30], $0x1000  }
0x7d: {  	[sflag:s30] =	ssyncset.done $0x0  }
0x7e: {  	[sflag:s30] =	ssyncadd.s32 $0xFFFFF000  }
0x7f: {  	_ =	swait.ge [sflag:s30], $0x1000  }
0x80: {  	[sflag:s30] =	ssyncset.done $0x0  }
0x81: {  	[sflag:s30] =	ssyncadd.s32 $0xFFFFF000  }
0x82: {  	_ =	swait.ge [sflag:s30], $0x1000  }
0x83: {  	[sflag:s30] =	ssyncset.done $0x0  }
0x84: {  	[sflag:s30] =	ssyncadd.s32 $0xFFFFF000  }
0x85: {  	_ =	swait.ge [sflag:s30], $0x1000  }
0x86: {  	[sflag:s30] =	ssyncset.done $0x0  }
0x87: {  	v3 =	vand.u32 $0x7F, v2;
	[sflag:s30] =	ssyncadd.s32 $0xFFFFF000  }
0x88: {  	v4 =	vand.u32 $0x7F, v1;
	v3 =	vor.u32 v0, v3;
	s5 =	simm.s32 $0x0;
	_ =	swait.ge [sflag:s30], $0x1000  }
0x89: {  	v4 =	vor.u32 v0, v4;
	v5 =	vor.u32 s5, v3;
	[sflag:s30] =	ssyncset.done $0x0  }
0x8a: {  	v7 =	vor.u32 s5, v4;
	[sflag:s30] =	ssyncadd.s32 $0xFFFFF000  }
0x8b: {  	_ =	swait.ge [sflag:s30], $0x1000  }
0x8c: {  	[sflag:s30] =	ssyncset.done $0x0  }
0x8d: {  	s5 =	simm.s32 $0x80;
	[sflag:s30] =	ssyncadd.s32 $0xFFFFF000  }
0x8e: {  	v8 =	vor.u32 s5, v3;
	v6 =	vld.idx.msk [tilespmem:v5+s13+$0x0], $0xffff  }
0x8f: {  	v9 =	vor.u32 s5, v4;
	v7 =	vld.idx.msk [tilespmem:v7+s14+$0x0], $0xffff;
	_ =	sdelay $0x2  }
0x90: {  	s31 =	simm.s32 $0x2;
	v5 =	vimm.f32 $0.0e+00  }
.LBB2_3:
0x91: {  	s5 =	sshll.u32 s31, $0x7;
	v10 =	vmov v6;
	v6 =	vld.idx.msk [tilespmem:v8+s13+$0x0], $0xffff;
	p0 =	sne.s32 s31, $0x1F  }
.Ltmp0:
0x92: {  	s31 =	sadd.s32 $0x1, s31;
	v8 =	vor.u32 s5, v3;
	v10 =	vmul.f32 v7, v10;
	v7 =	vld.idx.msk [tilespmem:v9+s14+$0x0], $0xffff;
	(pc) =	sbr.rel @p0 .LBB2_3-.Ltmp0, $3  }
0x93: {  	v9 =	vor.u32 s5, v4  }
0x94: {  	v10 =	vadd.f32 v10, v5;
	_ =	sdelay $0x1  }
0x95: {  	v5 =	vsel vm0, v10, v5  }
0x96: {  	(v2sf) =	vpush v2, $0x8;
	_ =	sdelay $0x3  }
0x97: {  	(v2sf) =	vpush v1, $0x8;
	_ =	sdelay $0x3  }
0x98: {  	(v2sf) =	vpush v2, $0x9;
	_ =	sdelay $0x3  }
0x99: {  	(v2sf) =	vpush v1, $0x9;
	_ =	sdelay $0x2  }
0x9a: {  	s5 =	spop (v2sf)  }
0x9b: {  	(v2sf) =	vpush v2, $0xA;
	s5 =	sand.u32 $0xFFFFF80, s5  }
0x9c: {  	v8 =	vld.idx.msk [tilespmem:v8+s13+$0x0], $0xffff;
	s5 =	sadd.s32 s1, s5  }
0x9d: {  	v9 =	vld.idx.msk [tilespmem:v9+s14+$0x0], $0xffff;
	[tilespmem:s13], [sflag:$0x1] =	stream.strided.gather [hbm4b:s5+s11], $0x1000, s12, s11, $0x38  }
0x9e: {  	s5 =	spop (v2sf)  }
0x9f: {  	(v2sf) =	vpush v1, $0xA;
	s5 =	sand.u32 $0xFFFFF80, s5  }
0xa0: {  	s5 =	sadd.s32 s2, s5  }
0xa1: {  	[tilespmem:s14], [sflag:$0x1] =	stream.strided.gather [hbm4b:s5+s11], $0x1000, s12, s11, $0x38;
	[tilespmem:$0x10700] =	vst v63  }
0xa2: {  	s5 =	spop (v2sf)  }
0xa3: {  	(v2sf) =	vpush v2, $0xB;
	s5 =	sand.u32 $0xFFFFF80, s5  }
0xa4: {  	s5 =	sadd.s32 s1, s5  }
0xa5: {  	[tilespmem:s15], [sflag:$0x1] =	stream.strided.gather [hbm4b:s5+s11], $0x1000, s12, s11, $0x38;
	[tilespmem:$0x10700] =	vst v63  }
0xa6: {  	s5 =	spop (v2sf)  }
0xa7: {  	(v2sf) =	vpush v1, $0xB;
	s5 =	sand.u32 $0xFFFFF80, s5  }
0xa8: {  	s5 =	sadd.s32 s2, s5  }
0xa9: {  	[tilespmem:s16], [sflag:$0x1] =	stream.strided.gather [hbm4b:s5+s11], $0x1000, s12, s11, $0x38;
	[tilespmem:$0x10700] =	vst v63  }
0xaa: {  	s5 =	spop (v2sf)  }
0xab: {  	(v2sf) =	vpush v2, $0xC;
	s5 =	sand.u32 $0xFFFFF80, s5  }
0xac: {  	s5 =	sadd.s32 s1, s5  }
0xad: {  	[tilespmem:s17], [sflag:$0x1] =	stream.strided.gather [hbm4b:s5+s11], $0x1000, s12, s11, $0x38;
	[tilespmem:$0x10700] =	vst v63  }
0xae: {  	s5 =	spop (v2sf)  }
0xaf: {  	(v2sf) =	vpush v1, $0xC;
	s5 =	sand.u32 $0xFFFFF80, s5  }
0xb0: {  	s5 =	sadd.s32 s2, s5  }
0xb1: {  	[tilespmem:s18], [sflag:$0x1] =	stream.strided.gather [hbm4b:s5+s11], $0x1000, s12, s11, $0x38;
	[tilespmem:$0x10700] =	vst v63  }
0xb2: {  	s5 =	spop (v2sf)  }
0xb3: {  	(v2sf) =	vpush v2, $0xD;
	s5 =	sand.u32 $0xFFFFF80, s5  }
0xb4: {  	s5 =	sadd.s32 s1, s5  }
0xb5: {  	(v2sf) =	vpush v1, $0xD;
	[tilespmem:s19], [sflag:$0x1] =	stream.strided.gather [hbm4b:s5+s11], $0x1000, s12, s11, $0x38;
	[tilespmem:$0x10700] =	vst v63  }
0xb6: {  	s5 =	spop (v2sf)  }
0xb7: {  	s5 =	sand.u32 $0xFFFFF80, s5  }
0xb8: {  	(v2sf) =	vpush v2, $0xE;
	s5 =	sadd.s32 s2, s5  }
0xb9: {  	[tilespmem:s20], [sflag:$0x1] =	stream.strided.gather [hbm4b:s5+s11], $0x1000, s12, s11, $0x38;
	[tilespmem:$0x10700] =	vst v63  }
0xba: {  	s5 =	spop (v2sf)  }
0xbb: {  	s5 =	sand.u32 $0xFFFFF80, s5  }
0xbc: {  	s5 =	sadd.s32 s1, s5  }
0xbd: {  	(v2sf) =	vpush v1, $0xE;
	[tilespmem:s21], [sflag:$0x1] =	stream.strided.gather [hbm4b:s5+s11], $0x1000, s12, s11, $0x38;
	[tilespmem:$0x10700] =	vst v63  }
0xbe: {  	s5 =	spop (v2sf)  }
0xbf: {  	(v2sf) =	vpush v2, $0xF;
	s5 =	sand.u32 $0xFFFFF80, s5  }
0xc0: {  	s5 =	sadd.s32 s2, s5  }
0xc1: {  	[tilespmem:s22], [sflag:$0x1] =	stream.strided.gather [hbm4b:s5+s11], $0x1000, s12, s11, $0x38;
	[tilespmem:$0x10700] =	vst v63  }
0xc2: {  	s5 =	spop (v2sf)  }
0xc3: {  	s5 =	sand.u32 $0xFFFFF80, s5  }
0xc4: {  	(v2sf) =	vpush v1, $0xF;
	s31 =	spop (v2sf);
	s5 =	sadd.s32 s1, s5  }
0xc5: {  	[tilespmem:s23], [sflag:$0x1] =	stream.strided.gather [hbm4b:s5+s11], $0x1000, s12, s11, $0x38;
	[tilespmem:$0x10700] =	vst v63  }
0xc6: {  	s5 =	sand.u32 $0xFFFFF80, s31  }
0xc7: {  	s31 =	spop (v2sf);
	s5 =	sadd.s32 s2, s5  }
0xc8: {  	[tilespmem:s24], [sflag:$0x1] =	stream.strided.gather [hbm4b:s5+s11], $0x1000, s12, s11, $0x38;
	[tilespmem:$0x10700] =	vst v63  }
0xc9: {  	s5 =	sand.u32 $0xFFFFF80, s31  }
0xca: {  	s5 =	sadd.s32 s1, s5  }
0xcb: {  	[tilespmem:s25], [sflag:$0x1] =	stream.strided.gather [hbm4b:s5+s11], $0x1000, s12, s11, $0x38;
	[tilespmem:$0x10700] =	vst v63  }
0xcc: {  	s31 =	spop (v2sf)  }
0xcd: {  	s5 =	sand.u32 $0xFFFFF80, s31  }
0xce: {  	s5 =	sadd.s32 s2, s5;
	s31 =	spop (v2sf)  }
0xcf: {  	[tilespmem:s26], [sflag:$0x1] =	stream.strided.gather [hbm4b:s5+s11], $0x1000, s12, s11, $0x38;
	[tilespmem:$0x10700] =	vst v63  }
0xd0: {  	s5 =	sand.u32 $0xFFFFF80, s31  }
0xd1: {  	s5 =	sadd.s32 s1, s5  }
0xd2: {  	[tilespmem:s28], [sflag:$0x1] =	stream.strided.gather [hbm4b:s5+s11], $0x1000, s12, s11, $0x38;
	[tilespmem:$0x10700] =	vst v63  }
0xd3: {  	s5 =	spop (v2sf)  }
0xd4: {  	s5 =	sand.u32 $0xFFFFF80, s5  }
0xd5: {  	s5 =	sadd.s32 s2, s5  }
0xd6: {  	[tilespmem:s29], [sflag:$0x1] =	stream.strided.gather [hbm4b:s5+s11], $0x1000, s12, s11, $0x38;
	[tilespmem:$0x10700] =	vst v63  }
0xd7: {  	_ =	swait.ge [sflag:s30], $0x1000  }
0xd8: {  	[sflag:s30] =	ssyncset.done $0x0  }
0xd9: {  	[sflag:s30] =	ssyncadd.s32 $0xFFFFF000  }
0xda: {  	_ =	swait.ge [sflag:s30], $0x1000  }
0xdb: {  	[sflag:s30] =	ssyncset.done $0x0  }
0xdc: {  	[sflag:s30] =	ssyncadd.s32 $0xFFFFF000  }
0xdd: {  	_ =	swait.ge [sflag:s30], $0x1000  }
0xde: {  	[sflag:s30] =	ssyncset.done $0x0  }
0xdf: {  	[sflag:s30] =	ssyncadd.s32 $0xFFFFF000  }
0xe0: {  	_ =	swait.ge [sflag:s30], $0x1000  }
0xe1: {  	[sflag:s30] =	ssyncset.done $0x0  }
0xe2: {  	[sflag:s30] =	ssyncadd.s32 $0xFFFFF000  }
0xe3: {  	_ =	swait.ge [sflag:s30], $0x1000  }
0xe4: {  	[sflag:s30] =	ssyncset.done $0x0  }
0xe5: {  	[sflag:s30] =	ssyncadd.s32 $0xFFFFF000  }
0xe6: {  	_ =	swait.ge [sflag:s30], $0x1000  }
0xe7: {  	[sflag:s30] =	ssyncset.done $0x0  }
0xe8: {  	[sflag:s30] =	ssyncadd.s32 $0xFFFFF000  }
0xe9: {  	_ =	swait.ge [sflag:s30], $0x1000  }
0xea: {  	[sflag:s30] =	ssyncset.done $0x0  }
0xeb: {  	[sflag:s30] =	ssyncadd.s32 $0xFFFFF000  }
0xec: {  	_ =	swait.ge [sflag:s30], $0x1000  }
0xed: {  	[sflag:s30] =	ssyncset.done $0x0  }
0xee: {  	[sflag:s30] =	ssyncadd.s32 $0xFFFFF000  }
0xef: {  	_ =	swait.ge [sflag:s30], $0x1000  }
0xf0: {  	[sflag:s30] =	ssyncset.done $0x0  }
0xf1: {  	[sflag:s30] =	ssyncadd.s32 $0xFFFFF000  }
0xf2: {  	_ =	swait.ge [sflag:s30], $0x1000  }
0xf3: {  	[sflag:s30] =	ssyncset.done $0x0  }
0xf4: {  	[sflag:s30] =	ssyncadd.s32 $0xFFFFF000  }
0xf5: {  	_ =	swait.ge [sflag:s30], $0x1000  }
0xf6: {  	[sflag:s30] =	ssyncset.done $0x0  }
0xf7: {  	[sflag:s30] =	ssyncadd.s32 $0xFFFFF000  }
0xf8: {  	_ =	swait.ge [sflag:s30], $0x1000  }
0xf9: {  	[sflag:s30] =	ssyncset.done $0x0  }
0xfa: {  	[sflag:s30] =	ssyncadd.s32 $0xFFFFF000  }
0xfb: {  	_ =	swait.ge [sflag:s30], $0x1000  }
0xfc: {  	[sflag:s30] =	ssyncset.done $0x0  }
0xfd: {  	[sflag:s30] =	ssyncadd.s32 $0xFFFFF000  }
0xfe: {  	_ =	swait.ge [sflag:s30], $0x1000  }
0xff: {  	[sflag:s30] =	ssyncset.done $0x0  }
0x100: {  	[sflag:s30] =	ssyncadd.s32 $0xFFFFF000  }
0x101: {  	v1 =	vmul.f32 v7, v6;
	s5 =	simm.s32 $0x0;
	_ =	swait.ge [sflag:s30], $0x1000  }
0x102: {  	v2 =	vor.u32 s5, v3;
	[sflag:s30] =	ssyncset.done $0x0  }
0x103: {  	v1 =	vadd.f32 v1, v5;
	v7 =	vor.u32 s5, v4;
	[sflag:s30] =	ssyncadd.s32 $0xFFFFF000  }
0x104: {  	v6 =	vmul.f32 v9, v8;
	_ =	swait.ge [sflag:s30], $0x1000  }
0x105: {  	v1 =	vsel vm0, v1, v5;
	[sflag:s30] =	ssyncset.done $0x0  }
0x106: {  	v5 =	vadd.f32 v6, v1;
	s5 =	simm.s32 $0x80;
	[sflag:s30] =	ssyncadd.s32 $0xFFFFF000  }
0x107: {  	v6 =	vor.u32 s5, v3;
	v2 =	vld.idx.msk [tilespmem:v2+s13+$0x0], $0xffff  }
0x108: {  	v1 =	vsel vm0, v5, v1;
	v5 =	vld.idx.msk [tilespmem:v7+s14+$0x0], $0xffff;
	v7 =	vor.u32 s5, v4;
	_ =	sdelay $0x2  }
0x109: {  	s31 =	simm.s32 $0x2  }
.LBB2_5:
0x10a: {  	s5 =	sshll.u32 s31, $0x7;
	v8 =	vmov v2;
	v2 =	vld.idx.msk [tilespmem:v6+s13+$0x0], $0xffff;
	p0 =	sne.s32 s31, $0x1F  }
.Ltmp1:
0x10b: {  	s31 =	sadd.s32 $0x1, s31;
	v6 =	vor.u32 s5, v3;
	v8 =	vmul.f32 v5, v8;
	v5 =	vld.idx.msk [tilespmem:v7+s14+$0x0], $0xffff;
	(pc) =	sbr.rel @p0 .LBB2_5-.Ltmp1, $3  }
0x10c: {  	v7 =	vor.u32 s5, v4  }
0x10d: {  	v8 =	vadd.f32 v8, v1;
	_ =	sdelay $0x1  }
0x10e: {  	v1 =	vsel vm0, v1, v8  }
0x10f: {  	_ =	sdelay $0x3  }
0x110: {  	v3 =	vld.idx.msk [tilespmem:v6+s13+$0x0], $0xffff  }
0x111: {  	v4 =	vld.idx.msk [tilespmem:v7+s14+$0x0], $0xffff;
	_ =	sdelay $0x1  }
0x112: {  	v2 =	vmul.f32 v5, v2;
	_ =	sdelay $0x1  }
0x113: {  	s3 =	sadd.s32 $0x1, s3;
	v2 =	vadd.f32 v2, v1  }
0x114: {  	p0 =	sne.s32 s3, $0x20;
	v3 =	vmul.f32 v4, v3  }
.Ltmp2:
0x115: {  	v1 =	vsel vm0, v1, v2;
	(pc) =	sbr.rel @p0 .LBB2_2-.Ltmp2, $3  }
0x116: {  	v2 =	vadd.f32 v3, v1;
	_ =	sdelay $0x1  }
0x117: {  	v1 =	vsel vm0, v1, v2  }
0x118: {  	[tilespmem:s10+$0x10500] =	vst v1  }
0x119: {  	s0 =	sadd.s32 $0x1, s0  }
0x11a: {  	p0 =	sne.s32 s0, s8  }
.Ltmp3:
0x11b: {  	s3 =	simm.s32 $0x10500;
	(pc) =	sbr.rel @p0 .LBB2_1-.Ltmp3, $4  }
0x11c: {  	[hbm4b:s7+s4] =	stream.linear.scatter [tilespmem:s3], [sflag:$0x2], $0x200, $0x38;
	[tilespmem:$0x10700] =	vst v63  }
0x11d: {  	_ =	swait.ge [sflag:s9], $0x200  }
0x11e: {  	[sflag:s9] =	ssyncset.done $0x0  }
0x11f: {  	[sflag:s9] =	ssyncadd.s32 $0xFFFFFE00  }
0x120: {  	_ =	sfence.sel $0x180000  }
0x121: {  	[bflag:$0x0] =	sbarrier.arrive $0xFFFF  }
0x122: {  	_ =	strace $0x90000047  }
0x123: {  	s0 =	stileid.u32;
	[bflag:$0x2] =	sbarrier.arrive $0xFFFF  }
0x124: {  	p0 =	sne.s32 s0, $0x0;
	s0 =	rddreg [dreg:$0x5]  }
0x125: {  	s0 =	sadd.s32 @!p0 $0x100000, s0  }
0x126: {  	[sflag:s0] =	ssyncadd.tile.s32 @!p0 $0x1;
	_ =	shalt  }
.Lfunc_end2:
_tile_overlayer_lowered:
.L_overlay_start_2:
0x127: {  	(tag) =	ssettag $0x2  }
0x128: {  	s0 =	rddreg [dreg:$0x0];
	s2 =	stileid.u32  }
0x129: {  	s1 =	rddreg [dreg:$0x1];
	p0 =	sne.s32 s2, $0x0  }
0x12a: {  	s3 =	rddreg [dreg:$0x2];
	[bflag:$0x3] =	sbarrier.arrive $0xFFFF;
	s2 =	simm.s32 @!p0 $0x1C02  }
0x12b: {  	[timem:s3], [sflag:s2] =	dma.local @!p0 [hbm:s0], s1  }
0x12c: {  	s0 =	simm.s32 @!p0 $0x2  }
0x12d: {  	_ =	swait.ge @!p0 [sflag:s0], s1  }
0x12e: {  	s1 =	ssub.s32 @!p0 $0x0, s1;
	[sflag:s0] =	ssyncset.done @!p0 $0x0  }
0x12f: {  	[sflag:s0] =	ssyncadd.s32 @!p0 s1  }
0x130: {  	[bflag:$0x3] =	sbarrier.arrive $0xFFFF  }
0x131: {  	_ =	shalt  }

</sc_bundles>
